<compile_context>
chip_gen: v7x
topology: tpu7x:2x2x1
jax: 0.10.2.dev20260603
libtpu: 0.0.44.dev20260713+nightly
codegen_flags: <defaults>
</compile_context>

<pallas_src>
import functools

import jax
import jax.numpy as jnp
from jax import lax
from jax.experimental import pallas as pl
from jax.experimental.pallas import tpu as pltpu
from jax.experimental.pallas import tpu_sc as plsc

B = 16384
NFEAT = 1000000
NCONT = 13
NCATE = 26
NTOT = NCONT + NCATE
D = 32
NC = 2
NS = 16
BPT = B // (NC * NS)
NFPAD = 1000064
NSTREAM = 12
CHK = 83328

_mesh = plsc.VectorSubcoreMesh(core_axis_name="c", subcore_axis_name="s")


@functools.partial(
    pl.kernel,
    mesh=_mesh,
    compiler_params=pltpu.CompilerParams(use_tc_tiling_on_sc=True),
    out_type=jax.ShapeDtypeStruct((NTOT, D, B), jnp.float32),
    scratch_types=[
        pltpu.VMEM((NCATE, 1, BPT), jnp.int32),
        pltpu.VMEM((NCONT, 1, BPT), jnp.float32),
        pltpu.VMEM((16,), jnp.int32),
        pltpu.VMEM((16,), jnp.float32),
        pltpu.VMEM((2, NTOT, 1, BPT), jnp.float32),
        pltpu.VMEM_SHARED((1, NFPAD), jnp.float32),
        pltpu.SemaphoreType.DMA,
        pltpu.SemaphoreType.DMA,
        pltpu.SemaphoreType.DMA,
        pltpu.SemaphoreType.DMA,
        pltpu.SemaphoreType.DMA,
    ],
)
def _emb_lookup(
    cvt_hbm, ucit_hbm, tabt_hbm, tail_hbm, cidx_hbm, out_hbm,
    idxs, cvs, cidx_v, cont_sc, stage, row2,
    sem_s, sem_c, sem_g, sem_o0, sem_o1,
):
    s = lax.axis_index("s")
    c = lax.axis_index("c")
    btile = c * (NS * BPT) + s * BPT

    pltpu.sync_copy(ucit_hbm.at[:, pl.ds(btile, BPT)], idxs.at[:, 0, :])
    pltpu.sync_copy(cvt_hbm.at[:, pl.ds(btile, BPT)], cvs.at[:, 0, :])
    pltpu.sync_copy(cidx_hbm, cidx_v.at[pl.ds(0, NCONT)])
    lane = lax.iota(jnp.int32, 16)
    cidx_v[pl.ds(0, 16)] = jnp.where(lane < NCONT, cidx_v[pl.ds(0, 16)], 0)

    row = row2.at[0]

    def stream_row(d):
        sem = sem_s
        off = pl.multiple_of(s * CHK, 128)

        @pl.when(s < NSTREAM)
        def _():
            pltpu.async_copy(
                tabt_hbm.at[pl.ds(d, 1), pl.ds(off, CHK)],
                row2.at[:, pl.ds(off, CHK)],
                sem,
            )

        @pl.when(s == NSTREAM)
        def _():
            pltpu.async_copy(
                tail_hbm.at[pl.ds(d, 1), :],
                row2.at[:, pl.ds(NFEAT - 64, 128)],
                sem,
            )

    def wait_row(d):
        sem = sem_s
        off = pl.multiple_of(s * CHK, 128)

        @pl.when(s < NSTREAM)
        def _():
            pltpu.make_async_copy(
                tabt_hbm.at[pl.ds(d, 1), pl.ds(off, CHK)],
                row2.at[:, pl.ds(off, CHK)],
                sem,
            ).wait()

        @pl.when(s == NSTREAM)
        def _():
            pltpu.make_async_copy(
                tail_hbm.at[pl.ds(d, 1), :],
                row2.at[:, pl.ds(NFEAT - 64, 128)],
                sem,
            ).wait()

    stream_row(0)

    def process(d, sbuf, sem_o):

        @pl.when(d >= 2)
        def _():
            pltpu.make_async_copy(
                sbuf,
                out_hbm.at[:, pl.ds(0, 1), pl.ds(btile, BPT)],
                sem_o,
            ).wait()

        cpc = pltpu.async_copy(row.at[cidx_v], cont_sc, sem_c)

        def fire(jj, c2):
            pltpu.async_copy(
                row.at[idxs.at[jj, 0]], sbuf.at[NCONT + jj, 0], sem_g
            )
            return c2

        lax.fori_loop(0, NCATE, fire, 0)

        cpc.wait()
        cvec = cont_sc[pl.ds(0, 16)]
        scal = [cvec[j] for j in range(NCONT)]

        def mulk(k, c2):
            o = k * 16
            for j in range(NCONT):
                sbuf[j, 0, pl.ds(o, 16)] = cvs[j, 0, pl.ds(o, 16)] * scal[j]
            return c2

        lax.fori_loop(0, BPT // 16, mulk, 0)

        def drain(jj, c2):
            pltpu.make_async_copy(
                row.at[idxs.at[0, 0]], sbuf.at[NCONT, 0], sem_g
            ).wait()
            return c2

        lax.fori_loop(0, NCATE, drain, 0)

        plsc.subcore_barrier()

        @pl.when(d + 1 < D)
        def _():
            stream_row(jnp.minimum(d + 1, D - 1))

        pltpu.async_copy(
            sbuf, out_hbm.at[:, pl.ds(d, 1), pl.ds(btile, BPT)], sem_o
        )

    def per_pair(p, carry):
        d0 = 2 * p
        d1 = 2 * p + 1

        wait_row(d0)
        plsc.subcore_barrier()
        process(d0, stage.at[0], sem_o0)

        wait_row(d1)
        plsc.subcore_barrier()
        process(d1, stage.at[1], sem_o1)
        return carry

    lax.fori_loop(0, D // 2, per_pair, 0)

    pltpu.make_async_copy(
        stage.at[0], out_hbm.at[:, pl.ds(0, 1), pl.ds(btile, BPT)], sem_o0
    ).wait()
    pltpu.make_async_copy(
        stage.at[1], out_hbm.at[:, pl.ds(0, 1), pl.ds(btile, BPT)], sem_o1
    ).wait()


def kernel(continuous_value, universal_category_index, emb_table, cont_idx):
    tail = jnp.pad(emb_table.T[:, NFEAT - 64:], ((0, 0), (0, 64)))
    out = _emb_lookup(
        continuous_value.T,
        universal_category_index.astype(jnp.int32).T,
        emb_table.T,
        tail,
        cont_idx.astype(jnp.int32),
    )
    return out.transpose(2, 0, 1)

# --- scband reference (transcript-rebuilt; emitter-appended) ---
"""Pipeline reference for scband-uniform-dimension-embedding-55783035240693 (READ-ONLY COPY).

The authoritative reference and input builder live on the scoring server;
editing this copy changes nothing except your own understanding.
"""

import jax, jax.numpy as jnp
import numpy as np

NUM_FEATS = 1000000
EMB_DIM = 32
BATCH = 16384
NUM_CONT = 13
NUM_CATE = 26


def setup_inputs(seed: int = 0) -> dict:
    key = jax.random.key(seed)
    k1, k2, k3 = jax.random.split(key, 3)
    continuous_value = jax.random.normal(k1, (BATCH, NUM_CONT), dtype=jnp.float32)
    universal_category_index = jax.random.randint(k2, (BATCH, NUM_CATE), 0, NUM_FEATS, dtype=jnp.int64)
    # xavier_uniform on [NUM_FEATS, EMB_DIM]
    bound = float(np.sqrt(6.0 / (NUM_FEATS + EMB_DIM)))
    emb_table = jax.random.uniform(k3, (NUM_FEATS, EMB_DIM), dtype=jnp.float32, minval=-bound, maxval=bound)
    cont_idx = jnp.arange(NUM_CONT, dtype=jnp.int64)
    return {
        "continuous_value": continuous_value,
        "universal_category_index": universal_category_index,
        "emb_table": emb_table,
        "cont_idx": cont_idx,
    }


def reference(continuous_value, universal_category_index, emb_table, cont_idx):
    # cont_emb = emb_layer(cont_idx) -> [NUM_CONT, EMB_DIM]
    cont_emb = jnp.take(emb_table, cont_idx, axis=0)
    # continuous_value.unsqueeze(2): [B, NUM_CONT, 1]; broadcast mul -> [B, NUM_CONT, EMB_DIM]
    cont_emb = continuous_value[:, :, None] * cont_emb[None, :, :]
    # cate_emb = emb_layer(universal_category_index) -> [B, NUM_CATE, EMB_DIM]
    cate_emb = jnp.take(emb_table, universal_category_index, axis=0)
    emb = jnp.concatenate([cont_emb, cate_emb], axis=1)
    return emb

if __name__ == "__main__":
    import jax
    _d = setup_inputs()
    print(jax.jit(kernel)(*tuple(_d.values())))

</pallas_src>

<mosaic_0001>
#map = affine_map<(d0, d1) -> (0, 0)>
#map1 = affine_map<(d0, d1) -> (0)>
#map2 = affine_map<(d0, d1) -> (0, 0, 0)>
module attributes {stable_mosaic.version = 14 : i64} {
  func.func @_emb_lookup(%arg0: i32, %arg1: i32, %arg2: memref<13x16384xf32, #tpu.memory_space<hbm>>, %arg3: memref<26x16384xi32, #tpu.memory_space<hbm>>, %arg4: memref<32x1000000xf32, #tpu.memory_space<hbm>>, %arg5: memref<32x128xf32, #tpu.memory_space<hbm>>, %arg6: memref<13xi32, #tpu.memory_space<hbm>>, %arg7: memref<39x32x16384xf32, #tpu.memory_space<hbm>>, %arg8: memref<26x1x512xi32, #tpu.memory_space<vmem>>, %arg9: memref<13x1x512xf32, #tpu.memory_space<vmem>>, %arg10: memref<16xi32, #tpu.memory_space<vmem>>, %arg11: memref<16xf32, #tpu.memory_space<vmem>>, %arg12: memref<2x39x1x512xf32, #tpu.memory_space<vmem>>, %arg13: memref<1x1000064xf32, #tpu.memory_space<vmem_shared>>, %arg14: memref<!tpu.dma_semaphore, #tpu.memory_space<semaphore_mem>>, %arg15: memref<!tpu.dma_semaphore, #tpu.memory_space<semaphore_mem>>, %arg16: memref<!tpu.dma_semaphore, #tpu.memory_space<semaphore_mem>>, %arg17: memref<!tpu.dma_semaphore, #tpu.memory_space<semaphore_mem>>, %arg18: memref<!tpu.dma_semaphore, #tpu.memory_space<semaphore_mem>>) attributes {dimension_semantics = [#tpu.dimension_semantics<core_parallel>, #tpu.dimension_semantics<subcore_parallel>], iteration_bounds = array<i64: 2, 16>, scalar_prefetch = 0 : i64, scratch_operands = 11 : i64, tpu.core_type = #tpu.core_type<sc_vector_subcore>, window_params = [{transform_indices = #map}, {transform_indices = #map}, {transform_indices = #map}, {transform_indices = #map}, {transform_indices = #map1}, {transform_indices = #map2}]} {
    %mul3A = arith.constant 8192 : i32
    %mul3A_0 = arith.muli %arg0, %mul3A : i32
    %mul3A_1 = arith.constant 512 : i32
    %mul3A_2 = arith.muli %arg1, %mul3A_1 : i32
    %add3A = arith.addi %mul3A_0, %mul3A_2 : i32
    %run_scoped3A = arith.constant 0 : i32
    "tpu.region"() ({
      %run_scoped3A_59 = tpu.sem_alloc : memref<!tpu.dma_semaphore, #tpu.memory_space<semaphore_mem>>
      %dma_start3A = arith.constant 0 : i32
      %dma_start3A_60 = arith.constant 0 : i32
      %dma_start3A_61 = tpu.memref_slice %arg8[%dma_start3A, %run_scoped3A, %dma_start3A_60] : memref<26x1x512xi32, #tpu.memory_space<vmem>> -> memref<26x1x512xi32, #tpu.memory_space<vmem>>
      %dma_start3A_62 = tpu.memref_squeeze %dma_start3A_61 : memref<26x1x512xi32, #tpu.memory_space<vmem>> -> memref<26x512xi32, #tpu.memory_space<vmem>>
      %dma_start3A_63 = arith.constant 0 : i32
      %dma_start3A_64 = tpu.memref_slice %arg3[%dma_start3A_63, %add3A] : memref<26x16384xi32, #tpu.memory_space<hbm>> -> memref<26x512xi32, #tpu.memory_space<hbm>>
      %dma_start3A_65 = arith.constant 0 : i32
      %dma_start3A_66 = arith.constant 0 : i32
      %dma_start3A_67 = tpu.memref_slice %arg8[%dma_start3A_65, %run_scoped3A, %dma_start3A_66] : memref<26x1x512xi32, #tpu.memory_space<vmem>> -> memref<26x1x512xi32, #tpu.memory_space<vmem>>
      %dma_start3A_68 = tpu.memref_squeeze %dma_start3A_67 : memref<26x1x512xi32, #tpu.memory_space<vmem>> -> memref<26x512xi32, #tpu.memory_space<vmem>>
      %dma_start3A_69 = arith.constant 0 : i32
      %dma_start3A_70 = tpu.memref_slice %arg3[%dma_start3A_69, %add3A] : memref<26x16384xi32, #tpu.memory_space<hbm>> -> memref<26x512xi32, #tpu.memory_space<hbm>>
      tpu.enqueue_dma source(%dma_start3A_70 : memref<26x512xi32, #tpu.memory_space<hbm>>) target(%dma_start3A_68 : memref<26x512xi32, #tpu.memory_space<vmem>>) target_semaphore(%run_scoped3A_59 : memref<!tpu.dma_semaphore, #tpu.memory_space<semaphore_mem>>)
      %dma_wait3A_71 = arith.constant 0 : i32
      %dma_wait3A_72 = arith.constant 0 : i32
      %dma_wait3A_73 = tpu.memref_slice %arg8[%dma_wait3A_71, %run_scoped3A, %dma_wait3A_72] : memref<26x1x512xi32, #tpu.memory_space<vmem>> -> memref<26x1x512xi32, #tpu.memory_space<vmem>>
      %dma_wait3A_74 = tpu.memref_squeeze %dma_wait3A_73 : memref<26x1x512xi32, #tpu.memory_space<vmem>> -> memref<26x512xi32, #tpu.memory_space<vmem>>
      %dma_wait3A_75 = arith.constant 0 : i32
      %dma_wait3A_76 = tpu.memref_slice %arg3[%dma_wait3A_75, %add3A] : memref<26x16384xi32, #tpu.memory_space<hbm>> -> memref<26x512xi32, #tpu.memory_space<hbm>>
      %dma_wait3A_77 = arith.constant 0 : i32
      %dma_wait3A_78 = arith.constant 0 : i32
      %dma_wait3A_79 = tpu.memref_slice %arg8[%dma_wait3A_77, %run_scoped3A, %dma_wait3A_78] : memref<26x1x512xi32, #tpu.memory_space<vmem>> -> memref<26x1x512xi32, #tpu.memory_space<vmem>>
      %dma_wait3A_80 = tpu.memref_squeeze %dma_wait3A_79 : memref<26x1x512xi32, #tpu.memory_space<vmem>> -> memref<26x512xi32, #tpu.memory_space<vmem>>
      %dma_wait3A_81 = arith.constant 0 : i32
      %dma_wait3A_82 = tpu.memref_slice %arg3[%dma_wait3A_81, %add3A] : memref<26x16384xi32, #tpu.memory_space<hbm>> -> memref<26x512xi32, #tpu.memory_space<hbm>>
      tpu.wait_dma2 semaphore(%run_scoped3A_59 : memref<!tpu.dma_semaphore, #tpu.memory_space<semaphore_mem>>) src(%dma_wait3A_82 : memref<26x512xi32, #tpu.memory_space<hbm>>) dst(%dma_wait3A_80 : memref<26x512xi32, #tpu.memory_space<vmem>>)
      tpu.yield
    }) : () -> ()
    %run_scoped3A_3 = arith.constant 0 : i32
    "tpu.region"() ({
      %run_scoped3A_59 = tpu.sem_alloc : memref<!tpu.dma_semaphore, #tpu.memory_space<semaphore_mem>>
      %dma_start3A = arith.constant 0 : i32
      %dma_start3A_60 = arith.constant 0 : i32
      %dma_start3A_61 = tpu.memref_slice %arg9[%dma_start3A, %run_scoped3A_3, %dma_start3A_60] : memref<13x1x512xf32, #tpu.memory_space<vmem>> -> memref<13x1x512xf32, #tpu.memory_space<vmem>>
      %dma_start3A_62 = tpu.memref_squeeze %dma_start3A_61 : memref<13x1x512xf32, #tpu.memory_space<vmem>> -> memref<13x512xf32, #tpu.memory_space<vmem>>
      %dma_start3A_63 = arith.constant 0 : i32
      %dma_start3A_64 = tpu.memref_slice %arg2[%dma_start3A_63, %add3A] : memref<13x16384xf32, #tpu.memory_space<hbm>> -> memref<13x512xf32, #tpu.memory_space<hbm>>
      %dma_start3A_65 = arith.constant 0 : i32
      %dma_start3A_66 = arith.constant 0 : i32
      %dma_start3A_67 = tpu.memref_slice %arg9[%dma_start3A_65, %run_scoped3A_3, %dma_start3A_66] : memref<13x1x512xf32, #tpu.memory_space<vmem>> -> memref<13x1x512xf32, #tpu.memory_space<vmem>>
      %dma_start3A_68 = tpu.memref_squeeze %dma_start3A_67 : memref<13x1x512xf32, #tpu.memory_space<vmem>> -> memref<13x512xf32, #tpu.memory_space<vmem>>
      %dma_start3A_69 = arith.constant 0 : i32
      %dma_start3A_70 = tpu.memref_slice %arg2[%dma_start3A_69, %add3A] : memref<13x16384xf32, #tpu.memory_space<hbm>> -> memref<13x512xf32, #tpu.memory_space<hbm>>
      tpu.enqueue_dma source(%dma_start3A_70 : memref<13x512xf32, #tpu.memory_space<hbm>>) target(%dma_start3A_68 : memref<13x512xf32, #tpu.memory_space<vmem>>) target_semaphore(%run_scoped3A_59 : memref<!tpu.dma_semaphore, #tpu.memory_space<semaphore_mem>>)
      %dma_wait3A_71 = arith.constant 0 : i32
      %dma_wait3A_72 = arith.constant 0 : i32
      %dma_wait3A_73 = tpu.memref_slice %arg9[%dma_wait3A_71, %run_scoped3A_3, %dma_wait3A_72] : memref<13x1x512xf32, #tpu.memory_space<vmem>> -> memref<13x1x512xf32, #tpu.memory_space<vmem>>
      %dma_wait3A_74 = tpu.memref_squeeze %dma_wait3A_73 : memref<13x1x512xf32, #tpu.memory_space<vmem>> -> memref<13x512xf32, #tpu.memory_space<vmem>>
      %dma_wait3A_75 = arith.constant 0 : i32
      %dma_wait3A_76 = tpu.memref_slice %arg2[%dma_wait3A_75, %add3A] : memref<13x16384xf32, #tpu.memory_space<hbm>> -> memref<13x512xf32, #tpu.memory_space<hbm>>
      %dma_wait3A_77 = arith.constant 0 : i32
      %dma_wait3A_78 = arith.constant 0 : i32
      %dma_wait3A_79 = tpu.memref_slice %arg9[%dma_wait3A_77, %run_scoped3A_3, %dma_wait3A_78] : memref<13x1x512xf32, #tpu.memory_space<vmem>> -> memref<13x1x512xf32, #tpu.memory_space<vmem>>
      %dma_wait3A_80 = tpu.memref_squeeze %dma_wait3A_79 : memref<13x1x512xf32, #tpu.memory_space<vmem>> -> memref<13x512xf32, #tpu.memory_space<vmem>>
      %dma_wait3A_81 = arith.constant 0 : i32
      %dma_wait3A_82 = tpu.memref_slice %arg2[%dma_wait3A_81, %add3A] : memref<13x16384xf32, #tpu.memory_space<hbm>> -> memref<13x512xf32, #tpu.memory_space<hbm>>
      tpu.wait_dma2 semaphore(%run_scoped3A_59 : memref<!tpu.dma_semaphore, #tpu.memory_space<semaphore_mem>>) src(%dma_wait3A_82 : memref<13x512xf32, #tpu.memory_space<hbm>>) dst(%dma_wait3A_80 : memref<13x512xf32, #tpu.memory_space<vmem>>)
      tpu.yield
    }) : () -> ()
    "tpu.region"() ({
      %run_scoped3A_59 = tpu.sem_alloc : memref<!tpu.dma_semaphore, #tpu.memory_space<semaphore_mem>>
      %dma_start3A = arith.constant 0 : i32
      %dma_start3A_60 = tpu.memref_slice %arg10[%dma_start3A] : memref<16xi32, #tpu.memory_space<vmem>> -> memref<13xi32, #tpu.memory_space<vmem>>
      %dma_start3A_61 = arith.constant 0 : i32
      %dma_start3A_62 = tpu.memref_slice %arg10[%dma_start3A_61] : memref<16xi32, #tpu.memory_space<vmem>> -> memref<13xi32, #tpu.memory_space<vmem>>
      tpu.enqueue_dma source(%arg6 : memref<13xi32, #tpu.memory_space<hbm>>) target(%dma_start3A_62 : memref<13xi32, #tpu.memory_space<vmem>>) target_semaphore(%run_scoped3A_59 : memref<!tpu.dma_semaphore, #tpu.memory_space<semaphore_mem>>)
      %dma_wait3A_63 = arith.constant 0 : i32
      %dma_wait3A_64 = tpu.memref_slice %arg10[%dma_wait3A_63] : memref<16xi32, #tpu.memory_space<vmem>> -> memref<13xi32, #tpu.memory_space<vmem>>
      %dma_wait3A_65 = arith.constant 0 : i32
      %dma_wait3A_66 = tpu.memref_slice %arg10[%dma_wait3A_65] : memref<16xi32, #tpu.memory_space<vmem>> -> memref<13xi32, #tpu.memory_space<vmem>>
      tpu.wait_dma2 semaphore(%run_scoped3A_59 : memref<!tpu.dma_semaphore, #tpu.memory_space<semaphore_mem>>) src(%arg6 : memref<13xi32, #tpu.memory_space<hbm>>) dst(%dma_wait3A_66 : memref<13xi32, #tpu.memory_space<vmem>>)
      tpu.yield
    }) : () -> ()
    %iota3A = tpu.iota {dimensions = array<i32: 0>} : vector<16xi32>
    %lt3A = arith.constant 13 : i32
    %lt3A_4 = vector.broadcast %lt3A : i32 to vector<16xi32>
    %lt3A_5 = arith.cmpi slt, %iota3A, %lt3A_4 : vector<16xi32>
    %get3A = arith.constant 0 : index
    %get3A_6 = tpu.vector_load %arg10[%get3A] {strides = array<i32>} : memref<16xi32, #tpu.memory_space<vmem>>, vector<16xi32>,
    %get3A_7 = vector.shape_cast %get3A_6 : vector<16xi32> to vector<16xi32>
    %jit3A = arith.constant 0 : i32
    %broadcast_in_dim3A = vector.broadcast %jit3A : i32 to vector<16xi32>
    %select_n3A = arith.select %lt3A_5, %get3A_7, %broadcast_in_dim3A : vector<16xi1>, vector<16xi32>
    %swap3A = arith.constant 0 : index
    %swap3A_8 = tpu.vector_load %arg10[%swap3A] {strides = array<i32>} : memref<16xi32, #tpu.memory_space<vmem>>, vector<16xi32>,
    %swap3A_9 = vector.shape_cast %swap3A_8 : vector<16xi32> to vector<16xi32>
    %swap3A_10 = vector.shape_cast %select_n3A : vector<16xi32> to vector<16xi32>
    tpu.vector_store %arg10[%swap3A], %swap3A_10 {strides = array<i32>} : memref<16xi32, #tpu.memory_space<vmem>>, vector<16xi32>,
    %mul3A_11 = arith.constant 83328 : i32
    %mul3A_12 = arith.muli %arg1, %mul3A_11 : i32
    %multiple_of3A = tpu.assume_multiple %mul3A_12, 128 : i32
    %lt3A_13 = arith.constant 12 : i32
    %lt3A_14 = arith.cmpi slt, %arg1, %lt3A_13 : i32
    %convert_element_type3A = arith.extui %lt3A_14 : i1 to i32
    %cond3A = arith.constant 0 : i32
    %cond3A_15 = arith.cmpi ne, %convert_element_type3A, %cond3A : i32
    scf.if %cond3A_15 {
      %dma_start3A = arith.constant 0 : i32
      %dma_start3A_59 = tpu.memref_slice %arg13[%dma_start3A, %multiple_of3A] : memref<1x1000064xf32, #tpu.memory_space<vmem_shared>> -> memref<1x83328xf32, #tpu.memory_space<vmem_shared>>
      %dma_start3A_60 = arith.constant 0 : i32
      %dma_start3A_61 = tpu.memref_slice %arg4[%dma_start3A_60, %multiple_of3A] : memref<32x1000000xf32, #tpu.memory_space<hbm>> -> memref<1x83328xf32, #tpu.memory_space<hbm>>
      tpu.enqueue_dma source(%dma_start3A_61 : memref<1x83328xf32, #tpu.memory_space<hbm>>) target(%dma_start3A_59 : memref<1x83328xf32, #tpu.memory_space<vmem_shared>>) target_semaphore(%arg14 : memref<!tpu.dma_semaphore, #tpu.memory_space<semaphore_mem>>)
    } else {
    }
    %eq3A = arith.constant 12 : i32
    %eq3A_16 = arith.cmpi eq, %arg1, %eq3A : i32
    %convert_element_type3A_17 = arith.extui %eq3A_16 : i1 to i32
    %cond3A_18 = arith.constant 0 : i32
    %cond3A_19 = arith.cmpi ne, %convert_element_type3A_17, %cond3A_18 : i32
    scf.if %cond3A_19 {
      %dma_start3A = arith.constant 0 : i32
      %dma_start3A_59 = arith.constant 999936 : i32
      %dma_start3A_60 = tpu.memref_slice %arg13[%dma_start3A, %dma_start3A_59] : memref<1x1000064xf32, #tpu.memory_space<vmem_shared>> -> memref<1x128xf32, #tpu.memory_space<vmem_shared>>
      %dma_start3A_61 = arith.constant 0 : i32
      %dma_start3A_62 = arith.constant 0 : i32
      %dma_start3A_63 = tpu.memref_slice %arg5[%dma_start3A_61, %dma_start3A_62] : memref<32x128xf32, #tpu.memory_space<hbm>> -> memref<1x128xf32, #tpu.memory_space<hbm>>
      tpu.enqueue_dma source(%dma_start3A_63 : memref<1x128xf32, #tpu.memory_space<hbm>>) target(%dma_start3A_60 : memref<1x128xf32, #tpu.memory_space<vmem_shared>>) target_semaphore(%arg14 : memref<!tpu.dma_semaphore, #tpu.memory_space<semaphore_mem>>)
    } else {
    }
    %scan3A = arith.constant 0 : i32
    %scan3A_20 = arith.constant 0 : i32
    %scan3A_21 = arith.constant 0 : i32
    %scan3A_22 = arith.constant 16 : i32
    %scan3A_23 = arith.addi %scan3A_21, %scan3A_22 : i32
    %scan3A_24 = arith.constant 1 : i32
    scf.for %scan3A_59 = %scan3A_21 to %scan3A_23 step %scan3A_24  : i32 {
      %mul3A_60 = arith.constant 2 : i32
      %mul3A_61 = arith.muli %mul3A_60, %scan3A_59 : i32
      %mul3A_62 = arith.constant 2 : i32
      %mul3A_63 = arith.muli %mul3A_62, %scan3A_59 : i32
      %add3A_64 = arith.constant 1 : i32
      %add3A_65 = arith.addi %mul3A_63, %add3A_64 : i32
      %mul3A_66 = arith.constant 83328 : i32
      %mul3A_67 = arith.muli %arg1, %mul3A_66 : i32
      %multiple_of3A_68 = tpu.assume_multiple %mul3A_67, 128 : i32
      %lt3A_69 = arith.constant 12 : i32
      %lt3A_70 = arith.cmpi slt, %arg1, %lt3A_69 : i32
      %convert_element_type3A_71 = arith.extui %lt3A_70 : i1 to i32
      %cond3A_72 = arith.constant 0 : i32
      %cond3A_73 = arith.cmpi ne, %convert_element_type3A_71, %cond3A_72 : i32
      scf.if %cond3A_73 {
        %dma_wait3A_267 = arith.constant 0 : i32
        %dma_wait3A_268 = tpu.memref_slice %arg13[%dma_wait3A_267, %multiple_of3A_68] : memref<1x1000064xf32, #tpu.memory_space<vmem_shared>> -> memref<1x83328xf32, #tpu.memory_space<vmem_shared>>
        %dma_wait3A_269 = tpu.memref_slice %arg4[%mul3A_61, %multiple_of3A_68] : memref<32x1000000xf32, #tpu.memory_space<hbm>> -> memref<1x83328xf32, #tpu.memory_space<hbm>>
        tpu.wait_dma2 semaphore(%arg14 : memref<!tpu.dma_semaphore, #tpu.memory_space<semaphore_mem>>) src(%dma_wait3A_269 : memref<1x83328xf32, #tpu.memory_space<hbm>>) dst(%dma_wait3A_268 : memref<1x83328xf32, #tpu.memory_space<vmem_shared>>)
      } else {
      }
      %eq3A_74 = arith.constant 12 : i32
      %eq3A_75 = arith.cmpi eq, %arg1, %eq3A_74 : i32
      %convert_element_type3A_76 = arith.extui %eq3A_75 : i1 to i32
      %cond3A_77 = arith.constant 0 : i32
      %cond3A_78 = arith.cmpi ne, %convert_element_type3A_76, %cond3A_77 : i32
      scf.if %cond3A_78 {
        %dma_wait3A_267 = arith.constant 0 : i32
        %dma_wait3A_268 = arith.constant 999936 : i32
        %dma_wait3A_269 = tpu.memref_slice %arg13[%dma_wait3A_267, %dma_wait3A_268] : memref<1x1000064xf32, #tpu.memory_space<vmem_shared>> -> memref<1x128xf32, #tpu.memory_space<vmem_shared>>
        %dma_wait3A_270 = arith.constant 0 : i32
        %dma_wait3A_271 = tpu.memref_slice %arg5[%mul3A_61, %dma_wait3A_270] : memref<32x128xf32, #tpu.memory_space<hbm>> -> memref<1x128xf32, #tpu.memory_space<hbm>>
        tpu.wait_dma2 semaphore(%arg14 : memref<!tpu.dma_semaphore, #tpu.memory_space<semaphore_mem>>) src(%dma_wait3A_271 : memref<1x128xf32, #tpu.memory_space<hbm>>) dst(%dma_wait3A_269 : memref<1x128xf32, #tpu.memory_space<vmem_shared>>)
      } else {
      }
      %barrier3A = arith.constant 0 : index
      tpu.barrier barrier_id(%barrier3A)
      %ge3A = arith.constant 2 : i32
      %ge3A_79 = arith.cmpi sge, %mul3A_61, %ge3A : i32
      %convert_element_type3A_80 = arith.extui %ge3A_79 : i1 to i32
      %cond3A_81 = arith.constant 0 : i32
      %cond3A_82 = arith.constant 0 : i32
      %cond3A_83 = arith.cmpi ne, %convert_element_type3A_80, %cond3A_82 : i32
      scf.if %cond3A_83 {
        %dma_wait3A_267 = arith.constant 0 : i32
        %dma_wait3A_268 = arith.constant 0 : i32
        %dma_wait3A_269 = arith.constant 0 : i32
        %dma_wait3A_270 = tpu.memref_slice %arg12[%cond3A_81, %dma_wait3A_267, %dma_wait3A_268, %dma_wait3A_269] : memref<2x39x1x512xf32, #tpu.memory_space<vmem>> -> memref<1x39x1x512xf32, #tpu.memory_space<vmem>>
        %dma_wait3A_271 = tpu.memref_squeeze %dma_wait3A_270 : memref<1x39x1x512xf32, #tpu.memory_space<vmem>> -> memref<39x1x512xf32, #tpu.memory_space<vmem>>
        %dma_wait3A_272 = arith.constant 0 : i32
        %dma_wait3A_273 = arith.constant 0 : i32
        %dma_wait3A_274 = tpu.memref_slice %arg7[%dma_wait3A_272, %dma_wait3A_273, %add3A] : memref<39x32x16384xf32, #tpu.memory_space<hbm>> -> memref<39x1x512xf32, #tpu.memory_space<hbm>>
        %dma_wait3A_275 = arith.constant 0 : i32
        %dma_wait3A_276 = arith.constant 0 : i32
        %dma_wait3A_277 = tpu.memref_slice %arg7[%dma_wait3A_275, %dma_wait3A_276, %add3A] : memref<39x32x16384xf32, #tpu.memory_space<hbm>> -> memref<39x1x512xf32, #tpu.memory_space<hbm>>
        %dma_wait3A_278 = arith.constant 0 : i32
        %dma_wait3A_279 = arith.constant 0 : i32
        %dma_wait3A_280 = arith.constant 0 : i32
        %dma_wait3A_281 = tpu.memref_slice %arg12[%cond3A_81, %dma_wait3A_278, %dma_wait3A_279, %dma_wait3A_280] : memref<2x39x1x512xf32, #tpu.memory_space<vmem>> -> memref<1x39x1x512xf32, #tpu.memory_space<vmem>>
        %dma_wait3A_282 = tpu.memref_squeeze %dma_wait3A_281 : memref<1x39x1x512xf32, #tpu.memory_space<vmem>> -> memref<39x1x512xf32, #tpu.memory_space<vmem>>
        tpu.wait_dma2 semaphore(%arg17 : memref<!tpu.dma_semaphore, #tpu.memory_space<semaphore_mem>>) src(%dma_wait3A_282 : memref<39x1x512xf32, #tpu.memory_space<vmem>>) dst(%dma_wait3A_277 : memref<39x1x512xf32, #tpu.memory_space<hbm>>)
      } else {
      }
      %dma_start3A = arith.constant 0 : i32
      %dma_start3A_84 = tpu.memref_slice %arg13[%scan3A_20, %dma_start3A] : memref<1x1000064xf32, #tpu.memory_space<vmem_shared>> -> memref<1x1000064xf32, #tpu.memory_space<vmem_shared>>
      %dma_start3A_85 = tpu.memref_squeeze %dma_start3A_84 : memref<1x1000064xf32, #tpu.memory_space<vmem_shared>> -> memref<1000064xf32, #tpu.memory_space<vmem_shared>>
      %dma_start3A_86 = arith.constant 0 : i32
      %dma_start3A_87 = tpu.memref_slice %dma_start3A_85[%dma_start3A_86] : memref<1000064xf32, #tpu.memory_space<vmem_shared>> -> memref<1000064xf32, #tpu.memory_space<vmem_shared>>
      tpu.enqueue_indirect_dma source(%dma_start3A_87 : memref<1000064xf32, #tpu.memory_space<vmem_shared>>) target(%arg11 : memref<16xf32, #tpu.memory_space<vmem>>) offsets(%arg10 : memref<16xi32, #tpu.memory_space<vmem>>) semaphore(%arg15 : memref<!tpu.dma_semaphore, #tpu.memory_space<semaphore_mem>>)
      %scan3A_88 = arith.constant 0 : i32
      %scan3A_89 = arith.constant 0 : i32
      %scan3A_90 = arith.constant 0 : i32
      %scan3A_91 = arith.constant 26 : i32
      %scan3A_92 = arith.addi %scan3A_90, %scan3A_91 : i32
      %scan3A_93 = arith.constant 1 : i32
      scf.for %scan3A_267 = %scan3A_90 to %scan3A_92 step %scan3A_93  : i32 {
        %add3A_268 = arith.constant 13 : i32
        %add3A_269 = arith.addi %add3A_268, %scan3A_267 : i32
        %dma_start3A_270 = arith.constant 0 : i32
        %dma_start3A_271 = arith.constant 0 : i32
        %dma_start3A_272 = arith.constant 0 : i32
        %dma_start3A_273 = arith.constant 0 : i32
        %dma_start3A_274 = arith.constant 0 : i32
        %dma_start3A_275 = tpu.memref_slice %arg12[%scan3A_89, %dma_start3A_272, %dma_start3A_273, %dma_start3A_274] : memref<2x39x1x512xf32, #tpu.memory_space<vmem>> -> memref<1x39x1x512xf32, #tpu.memory_space<vmem>>
        %dma_start3A_276 = tpu.memref_squeeze %dma_start3A_275 : memref<1x39x1x512xf32, #tpu.memory_space<vmem>> -> memref<39x1x512xf32, #tpu.memory_space<vmem>>
        %dma_start3A_277 = arith.constant 0 : i32
        %dma_start3A_278 = tpu.memref_slice %dma_start3A_276[%add3A_269, %dma_start3A_271, %dma_start3A_277] : memref<39x1x512xf32, #tpu.memory_space<vmem>> -> memref<1x1x512xf32, #tpu.memory_space<vmem>>
        %dma_start3A_279 = tpu.memref_squeeze %dma_start3A_278 : memref<1x1x512xf32, #tpu.memory_space<vmem>> -> memref<512xf32, #tpu.memory_space<vmem>>
        %dma_start3A_280 = arith.constant 0 : i32
        %dma_start3A_281 = tpu.memref_slice %arg8[%scan3A_267, %dma_start3A_270, %dma_start3A_280] : memref<26x1x512xi32, #tpu.memory_space<vmem>> -> memref<1x1x512xi32, #tpu.memory_space<vmem>>
        %dma_start3A_282 = tpu.memref_squeeze %dma_start3A_281 : memref<1x1x512xi32, #tpu.memory_space<vmem>> -> memref<512xi32, #tpu.memory_space<vmem>>
        %dma_start3A_283 = arith.constant 0 : i32
        %dma_start3A_284 = tpu.memref_slice %arg13[%scan3A_20, %dma_start3A_283] : memref<1x1000064xf32, #tpu.memory_space<vmem_shared>> -> memref<1x1000064xf32, #tpu.memory_space<vmem_shared>>
        %dma_start3A_285 = tpu.memref_squeeze %dma_start3A_284 : memref<1x1000064xf32, #tpu.memory_space<vmem_shared>> -> memref<1000064xf32, #tpu.memory_space<vmem_shared>>
        %dma_start3A_286 = arith.constant 0 : i32
        %dma_start3A_287 = tpu.memref_slice %dma_start3A_285[%dma_start3A_286] : memref<1000064xf32, #tpu.memory_space<vmem_shared>> -> memref<1000064xf32, #tpu.memory_space<vmem_shared>>
        tpu.enqueue_indirect_dma source(%dma_start3A_287 : memref<1000064xf32, #tpu.memory_space<vmem_shared>>) target(%dma_start3A_279 : memref<512xf32, #tpu.memory_space<vmem>>) offsets(%dma_start3A_282 : memref<512xi32, #tpu.memory_space<vmem>>) semaphore(%arg16 : memref<!tpu.dma_semaphore, #tpu.memory_space<semaphore_mem>>)
      }
      %scan3A_94 = arith.constant 26 : i32
      %dma_wait3A_95 = arith.constant 0 : i32
      %dma_wait3A_96 = tpu.memref_slice %arg13[%scan3A_20, %dma_wait3A_95] : memref<1x1000064xf32, #tpu.memory_space<vmem_shared>> -> memref<1x1000064xf32, #tpu.memory_space<vmem_shared>>
      %dma_wait3A_97 = tpu.memref_squeeze %dma_wait3A_96 : memref<1x1000064xf32, #tpu.memory_space<vmem_shared>> -> memref<1000064xf32, #tpu.memory_space<vmem_shared>>
      %dma_wait3A_98 = arith.constant 0 : i32
      %dma_wait3A_99 = tpu.memref_slice %dma_wait3A_97[%dma_wait3A_98] : memref<1000064xf32, #tpu.memory_space<vmem_shared>> -> memref<1000064xf32, #tpu.memory_space<vmem_shared>>
      tpu.wait_indirect_dma semaphore(%arg15 : memref<!tpu.dma_semaphore, #tpu.memory_space<semaphore_mem>>) src(%dma_wait3A_99 : memref<1000064xf32, #tpu.memory_space<vmem_shared>>) dst(%arg11 : memref<16xf32, #tpu.memory_space<vmem>>)
      %get3A_100 = arith.constant 0 : index
      %get3A_101 = tpu.vector_load %arg11[%get3A_100] {strides = array<i32>} : memref<16xf32, #tpu.memory_space<vmem>>, vector<16xf32>,
      %get3A_102 = vector.shape_cast %get3A_101 : vector<16xf32> to vector<16xf32>
      %slice3A = vector.extract_strided_slice %get3A_102 {offsets = [0], sizes = [1], strides = [1]} : vector<16xf32> to vector<1xf32>
      %squeeze3A = vector.extract %slice3A[0] : f32 from vector<1xf32>
      %slice3A_103 = vector.extract_strided_slice %get3A_102 {offsets = [1], sizes = [1], strides = [1]} : vector<16xf32> to vector<1xf32>
      %squeeze3A_104 = vector.extract %slice3A_103[0] : f32 from vector<1xf32>
      %slice3A_105 = vector.extract_strided_slice %get3A_102 {offsets = [2], sizes = [1], strides = [1]} : vector<16xf32> to vector<1xf32>
      %squeeze3A_106 = vector.extract %slice3A_105[0] : f32 from vector<1xf32>
      %slice3A_107 = vector.extract_strided_slice %get3A_102 {offsets = [3], sizes = [1], strides = [1]} : vector<16xf32> to vector<1xf32>
      %squeeze3A_108 = vector.extract %slice3A_107[0] : f32 from vector<1xf32>
      %slice3A_109 = vector.extract_strided_slice %get3A_102 {offsets = [4], sizes = [1], strides = [1]} : vector<16xf32> to vector<1xf32>
      %squeeze3A_110 = vector.extract %slice3A_109[0] : f32 from vector<1xf32>
      %slice3A_111 = vector.extract_strided_slice %get3A_102 {offsets = [5], sizes = [1], strides = [1]} : vector<16xf32> to vector<1xf32>
      %squeeze3A_112 = vector.extract %slice3A_111[0] : f32 from vector<1xf32>
      %slice3A_113 = vector.extract_strided_slice %get3A_102 {offsets = [6], sizes = [1], strides = [1]} : vector<16xf32> to vector<1xf32>
      %squeeze3A_114 = vector.extract %slice3A_113[0] : f32 from vector<1xf32>
      %slice3A_115 = vector.extract_strided_slice %get3A_102 {offsets = [7], sizes = [1], strides = [1]} : vector<16xf32> to vector<1xf32>
      %squeeze3A_116 = vector.extract %slice3A_115[0] : f32 from vector<1xf32>
      %slice3A_117 = vector.extract_strided_slice %get3A_102 {offsets = [8], sizes = [1], strides = [1]} : vector<16xf32> to vector<1xf32>
      %squeeze3A_118 = vector.extract %slice3A_117[0] : f32 from vector<1xf32>
      %slice3A_119 = vector.extract_strided_slice %get3A_102 {offsets = [9], sizes = [1], strides = [1]} : vector<16xf32> to vector<1xf32>
      %squeeze3A_120 = vector.extract %slice3A_119[0] : f32 from vector<1xf32>
      %slice3A_121 = vector.extract_strided_slice %get3A_102 {offsets = [10], sizes = [1], strides = [1]} : vector<16xf32> to vector<1xf32>
      %squeeze3A_122 = vector.extract %slice3A_121[0] : f32 from vector<1xf32>
      %slice3A_123 = vector.extract_strided_slice %get3A_102 {offsets = [11], sizes = [1], strides = [1]} : vector<16xf32> to vector<1xf32>
      %squeeze3A_124 = vector.extract %slice3A_123[0] : f32 from vector<1xf32>
      %slice3A_125 = vector.extract_strided_slice %get3A_102 {offsets = [12], sizes = [1], strides = [1]} : vector<16xf32> to vector<1xf32>
      %squeeze3A_126 = vector.extract %slice3A_125[0] : f32 from vector<1xf32>
      %scan3A_127 = arith.constant 0 : i32
      %scan3A_128 = arith.constant 0 : i32
      %scan3A_129 = arith.constant 0 : i32
      %scan3A_130 = arith.constant 32 : i32
      %scan3A_131 = arith.addi %scan3A_129, %scan3A_130 : i32
      %scan3A_132 = arith.constant 1 : i32
      scf.for %scan3A_267 = %scan3A_129 to %scan3A_131 step %scan3A_132  : i32 {
        %mul3A_268 = arith.constant 16 : i32
        %mul3A_269 = arith.muli %scan3A_267, %mul3A_268 : i32
        %get3A_270 = arith.constant 0 : i32
        %get3A_271 = arith.constant 0 : i32
        %get3A_272 = arith.index_cast %get3A_270 : i32 to index
        %get3A_273 = arith.index_cast %get3A_271 : i32 to index
        %get3A_274 = arith.index_cast %mul3A_269 : i32 to index
        %get3A_275 = tpu.vector_load %arg9[%get3A_272, %get3A_273, %get3A_274] {strides = array<i32>} : memref<13x1x512xf32, #tpu.memory_space<vmem>>, vector<1x1x16xf32>,
        %get3A_276 = vector.shape_cast %get3A_275 : vector<1x1x16xf32> to vector<16xf32>
        %mul3A_277 = vector.broadcast %squeeze3A : f32 to vector<16xf32>
        %mul3A_278 = arith.mulf %get3A_276, %mul3A_277 : vector<16xf32>
        %swap3A_279 = arith.constant 0 : i32
        %swap3A_280 = arith.constant 0 : i32
        %swap3A_281 = arith.constant 0 : i32
        %swap3A_282 = arith.constant 0 : i32
        %swap3A_283 = arith.constant 0 : i32
        %swap3A_284 = tpu.memref_slice %arg12[%scan3A_128, %swap3A_281, %swap3A_282, %swap3A_283] : memref<2x39x1x512xf32, #tpu.memory_space<vmem>> -> memref<1x39x1x512xf32, #tpu.memory_space<vmem>>
        %swap3A_285 = tpu.memref_squeeze %swap3A_284 : memref<1x39x1x512xf32, #tpu.memory_space<vmem>> -> memref<39x1x512xf32, #tpu.memory_space<vmem>>
        %swap3A_286 = arith.index_cast %swap3A_279 : i32 to index
        %swap3A_287 = arith.index_cast %swap3A_280 : i32 to index
        %swap3A_288 = arith.index_cast %mul3A_269 : i32 to index
        %swap3A_289 = tpu.vector_load %swap3A_285[%swap3A_286, %swap3A_287, %swap3A_288] {strides = array<i32>} : memref<39x1x512xf32, #tpu.memory_space<vmem>>, vector<1x1x16xf32>,
        %swap3A_290 = vector.shape_cast %swap3A_289 : vector<1x1x16xf32> to vector<16xf32>
        %swap3A_291 = vector.shape_cast %mul3A_278 : vector<16xf32> to vector<1x1x16xf32>
        tpu.vector_store %swap3A_285[%swap3A_286, %swap3A_287, %swap3A_288], %swap3A_291 {strides = array<i32>} : memref<39x1x512xf32, #tpu.memory_space<vmem>>, vector<1x1x16xf32>,
        %get3A_292 = arith.constant 1 : i32
        %get3A_293 = arith.constant 0 : i32
        %get3A_294 = arith.index_cast %get3A_292 : i32 to index
        %get3A_295 = arith.index_cast %get3A_293 : i32 to index
        %get3A_296 = arith.index_cast %mul3A_269 : i32 to index
        %get3A_297 = tpu.vector_load %arg9[%get3A_294, %get3A_295, %get3A_296] {strides = array<i32>} : memref<13x1x512xf32, #tpu.memory_space<vmem>>, vector<1x1x16xf32>,
        %get3A_298 = vector.shape_cast %get3A_297 : vector<1x1x16xf32> to vector<16xf32>
        %mul3A_299 = vector.broadcast %squeeze3A_104 : f32 to vector<16xf32>
        %mul3A_300 = arith.mulf %get3A_298, %mul3A_299 : vector<16xf32>
        %swap3A_301 = arith.constant 1 : i32
        %swap3A_302 = arith.constant 0 : i32
        %swap3A_303 = arith.constant 0 : i32
        %swap3A_304 = arith.constant 0 : i32
        %swap3A_305 = arith.constant 0 : i32
        %swap3A_306 = tpu.memref_slice %arg12[%scan3A_128, %swap3A_303, %swap3A_304, %swap3A_305] : memref<2x39x1x512xf32, #tpu.memory_space<vmem>> -> memref<1x39x1x512xf32, #tpu.memory_space<vmem>>
        %swap3A_307 = tpu.memref_squeeze %swap3A_306 : memref<1x39x1x512xf32, #tpu.memory_space<vmem>> -> memref<39x1x512xf32, #tpu.memory_space<vmem>>
        %swap3A_308 = arith.index_cast %swap3A_301 : i32 to index
        %swap3A_309 = arith.index_cast %swap3A_302 : i32 to index
        %swap3A_310 = arith.index_cast %mul3A_269 : i32 to index
        %swap3A_311 = tpu.vector_load %swap3A_307[%swap3A_308, %swap3A_309, %swap3A_310] {strides = array<i32>} : memref<39x1x512xf32, #tpu.memory_space<vmem>>, vector<1x1x16xf32>,
        %swap3A_312 = vector.shape_cast %swap3A_311 : vector<1x1x16xf32> to vector<16xf32>
        %swap3A_313 = vector.shape_cast %mul3A_300 : vector<16xf32> to vector<1x1x16xf32>
        tpu.vector_store %swap3A_307[%swap3A_308, %swap3A_309, %swap3A_310], %swap3A_313 {strides = array<i32>} : memref<39x1x512xf32, #tpu.memory_space<vmem>>, vector<1x1x16xf32>,
        %get3A_314 = arith.constant 2 : i32
        %get3A_315 = arith.constant 0 : i32
        %get3A_316 = arith.index_cast %get3A_314 : i32 to index
        %get3A_317 = arith.index_cast %get3A_315 : i32 to index
        %get3A_318 = arith.index_cast %mul3A_269 : i32 to index
        %get3A_319 = tpu.vector_load %arg9[%get3A_316, %get3A_317, %get3A_318] {strides = array<i32>} : memref<13x1x512xf32, #tpu.memory_space<vmem>>, vector<1x1x16xf32>,
        %get3A_320 = vector.shape_cast %get3A_319 : vector<1x1x16xf32> to vector<16xf32>
        %mul3A_321 = vector.broadcast %squeeze3A_106 : f32 to vector<16xf32>
        %mul3A_322 = arith.mulf %get3A_320, %mul3A_321 : vector<16xf32>
        %swap3A_323 = arith.constant 2 : i32
        %swap3A_324 = arith.constant 0 : i32
        %swap3A_325 = arith.constant 0 : i32
        %swap3A_326 = arith.constant 0 : i32
        %swap3A_327 = arith.constant 0 : i32
        %swap3A_328 = tpu.memref_slice %arg12[%scan3A_128, %swap3A_325, %swap3A_326, %swap3A_327] : memref<2x39x1x512xf32, #tpu.memory_space<vmem>> -> memref<1x39x1x512xf32, #tpu.memory_space<vmem>>
        %swap3A_329 = tpu.memref_squeeze %swap3A_328 : memref<1x39x1x512xf32, #tpu.memory_space<vmem>> -> memref<39x1x512xf32, #tpu.memory_space<vmem>>
        %swap3A_330 = arith.index_cast %swap3A_323 : i32 to index
        %swap3A_331 = arith.index_cast %swap3A_324 : i32 to index
        %swap3A_332 = arith.index_cast %mul3A_269 : i32 to index
        %swap3A_333 = tpu.vector_load %swap3A_329[%swap3A_330, %swap3A_331, %swap3A_332] {strides = array<i32>} : memref<39x1x512xf32, #tpu.memory_space<vmem>>, vector<1x1x16xf32>,
        %swap3A_334 = vector.shape_cast %swap3A_333 : vector<1x1x16xf32> to vector<16xf32>
        %swap3A_335 = vector.shape_cast %mul3A_322 : vector<16xf32> to vector<1x1x16xf32>
        tpu.vector_store %swap3A_329[%swap3A_330, %swap3A_331, %swap3A_332], %swap3A_335 {strides = array<i32>} : memref<39x1x512xf32, #tpu.memory_space<vmem>>, vector<1x1x16xf32>,
        %get3A_336 = arith.constant 3 : i32
        %get3A_337 = arith.constant 0 : i32
        %get3A_338 = arith.index_cast %get3A_336 : i32 to index
        %get3A_339 = arith.index_cast %get3A_337 : i32 to index
        %get3A_340 = arith.index_cast %mul3A_269 : i32 to index
        %get3A_341 = tpu.vector_load %arg9[%get3A_338, %get3A_339, %get3A_340] {strides = array<i32>} : memref<13x1x512xf32, #tpu.memory_space<vmem>>, vector<1x1x16xf32>,
        %get3A_342 = vector.shape_cast %get3A_341 : vector<1x1x16xf32> to vector<16xf32>
        %mul3A_343 = vector.broadcast %squeeze3A_108 : f32 to vector<16xf32>
        %mul3A_344 = arith.mulf %get3A_342, %mul3A_343 : vector<16xf32>
        %swap3A_345 = arith.constant 3 : i32
        %swap3A_346 = arith.constant 0 : i32
        %swap3A_347 = arith.constant 0 : i32
        %swap3A_348 = arith.constant 0 : i32
        %swap3A_349 = arith.constant 0 : i32
        %swap3A_350 = tpu.memref_slice %arg12[%scan3A_128, %swap3A_347, %swap3A_348, %swap3A_349] : memref<2x39x1x512xf32, #tpu.memory_space<vmem>> -> memref<1x39x1x512xf32, #tpu.memory_space<vmem>>
        %swap3A_351 = tpu.memref_squeeze %swap3A_350 : memref<1x39x1x512xf32, #tpu.memory_space<vmem>> -> memref<39x1x512xf32, #tpu.memory_space<vmem>>
        %swap3A_352 = arith.index_cast %swap3A_345 : i32 to index
        %swap3A_353 = arith.index_cast %swap3A_346 : i32 to index
        %swap3A_354 = arith.index_cast %mul3A_269 : i32 to index
        %swap3A_355 = tpu.vector_load %swap3A_351[%swap3A_352, %swap3A_353, %swap3A_354] {strides = array<i32>} : memref<39x1x512xf32, #tpu.memory_space<vmem>>, vector<1x1x16xf32>,
        %swap3A_356 = vector.shape_cast %swap3A_355 : vector<1x1x16xf32> to vector<16xf32>
        %swap3A_357 = vector.shape_cast %mul3A_344 : vector<16xf32> to vector<1x1x16xf32>
        tpu.vector_store %swap3A_351[%swap3A_352, %swap3A_353, %swap3A_354], %swap3A_357 {strides = array<i32>} : memref<39x1x512xf32, #tpu.memory_space<vmem>>, vector<1x1x16xf32>,
        %get3A_358 = arith.constant 4 : i32
        %get3A_359 = arith.constant 0 : i32
        %get3A_360 = arith.index_cast %get3A_358 : i32 to index
        %get3A_361 = arith.index_cast %get3A_359 : i32 to index
        %get3A_362 = arith.index_cast %mul3A_269 : i32 to index
        %get3A_363 = tpu.vector_load %arg9[%get3A_360, %get3A_361, %get3A_362] {strides = array<i32>} : memref<13x1x512xf32, #tpu.memory_space<vmem>>, vector<1x1x16xf32>,
        %get3A_364 = vector.shape_cast %get3A_363 : vector<1x1x16xf32> to vector<16xf32>
        %mul3A_365 = vector.broadcast %squeeze3A_110 : f32 to vector<16xf32>
        %mul3A_366 = arith.mulf %get3A_364, %mul3A_365 : vector<16xf32>
        %swap3A_367 = arith.constant 4 : i32
        %swap3A_368 = arith.constant 0 : i32
        %swap3A_369 = arith.constant 0 : i32
        %swap3A_370 = arith.constant 0 : i32
        %swap3A_371 = arith.constant 0 : i32
        %swap3A_372 = tpu.memref_slice %arg12[%scan3A_128, %swap3A_369, %swap3A_370, %swap3A_371] : memref<2x39x1x512xf32, #tpu.memory_space<vmem>> -> memref<1x39x1x512xf32, #tpu.memory_space<vmem>>
        %swap3A_373 = tpu.memref_squeeze %swap3A_372 : memref<1x39x1x512xf32, #tpu.memory_space<vmem>> -> memref<39x1x512xf32, #tpu.memory_space<vmem>>
        %swap3A_374 = arith.index_cast %swap3A_367 : i32 to index
        %swap3A_375 = arith.index_cast %swap3A_368 : i32 to index
        %swap3A_376 = arith.index_cast %mul3A_269 : i32 to index
        %swap3A_377 = tpu.vector_load %swap3A_373[%swap3A_374, %swap3A_375, %swap3A_376] {strides = array<i32>} : memref<39x1x512xf32, #tpu.memory_space<vmem>>, vector<1x1x16xf32>,
        %swap3A_378 = vector.shape_cast %swap3A_377 : vector<1x1x16xf32> to vector<16xf32>
        %swap3A_379 = vector.shape_cast %mul3A_366 : vector<16xf32> to vector<1x1x16xf32>
        tpu.vector_store %swap3A_373[%swap3A_374, %swap3A_375, %swap3A_376], %swap3A_379 {strides = array<i32>} : memref<39x1x512xf32, #tpu.memory_space<vmem>>, vector<1x1x16xf32>,
        %get3A_380 = arith.constant 5 : i32
        %get3A_381 = arith.constant 0 : i32
        %get3A_382 = arith.index_cast %get3A_380 : i32 to index
        %get3A_383 = arith.index_cast %get3A_381 : i32 to index
        %get3A_384 = arith.index_cast %mul3A_269 : i32 to index
        %get3A_385 = tpu.vector_load %arg9[%get3A_382, %get3A_383, %get3A_384] {strides = array<i32>} : memref<13x1x512xf32, #tpu.memory_space<vmem>>, vector<1x1x16xf32>,
        %get3A_386 = vector.shape_cast %get3A_385 : vector<1x1x16xf32> to vector<16xf32>
        %mul3A_387 = vector.broadcast %squeeze3A_112 : f32 to vector<16xf32>
        %mul3A_388 = arith.mulf %get3A_386, %mul3A_387 : vector<16xf32>
        %swap3A_389 = arith.constant 5 : i32
        %swap3A_390 = arith.constant 0 : i32
        %swap3A_391 = arith.constant 0 : i32
        %swap3A_392 = arith.constant 0 : i32
        %swap3A_393 = arith.constant 0 : i32
        %swap3A_394 = tpu.memref_slice %arg12[%scan3A_128, %swap3A_391, %swap3A_392, %swap3A_393] : memref<2x39x1x512xf32, #tpu.memory_space<vmem>> -> memref<1x39x1x512xf32, #tpu.memory_space<vmem>>
        %swap3A_395 = tpu.memref_squeeze %swap3A_394 : memref<1x39x1x512xf32, #tpu.memory_space<vmem>> -> memref<39x1x512xf32, #tpu.memory_space<vmem>>
        %swap3A_396 = arith.index_cast %swap3A_389 : i32 to index
        %swap3A_397 = arith.index_cast %swap3A_390 : i32 to index
        %swap3A_398 = arith.index_cast %mul3A_269 : i32 to index
        %swap3A_399 = tpu.vector_load %swap3A_395[%swap3A_396, %swap3A_397, %swap3A_398] {strides = array<i32>} : memref<39x1x512xf32, #tpu.memory_space<vmem>>, vector<1x1x16xf32>,
        %swap3A_400 = vector.shape_cast %swap3A_399 : vector<1x1x16xf32> to vector<16xf32>
        %swap3A_401 = vector.shape_cast %mul3A_388 : vector<16xf32> to vector<1x1x16xf32>
        tpu.vector_store %swap3A_395[%swap3A_396, %swap3A_397, %swap3A_398], %swap3A_401 {strides = array<i32>} : memref<39x1x512xf32, #tpu.memory_space<vmem>>, vector<1x1x16xf32>,
        %get3A_402 = arith.constant 6 : i32
        %get3A_403 = arith.constant 0 : i32
        %get3A_404 = arith.index_cast %get3A_402 : i32 to index
        %get3A_405 = arith.index_cast %get3A_403 : i32 to index
        %get3A_406 = arith.index_cast %mul3A_269 : i32 to index
        %get3A_407 = tpu.vector_load %arg9[%get3A_404, %get3A_405, %get3A_406] {strides = array<i32>} : memref<13x1x512xf32, #tpu.memory_space<vmem>>, vector<1x1x16xf32>,
        %get3A_408 = vector.shape_cast %get3A_407 : vector<1x1x16xf32> to vector<16xf32>
        %mul3A_409 = vector.broadcast %squeeze3A_114 : f32 to vector<16xf32>
        %mul3A_410 = arith.mulf %get3A_408, %mul3A_409 : vector<16xf32>
        %swap3A_411 = arith.constant 6 : i32
        %swap3A_412 = arith.constant 0 : i32
        %swap3A_413 = arith.constant 0 : i32
        %swap3A_414 = arith.constant 0 : i32
        %swap3A_415 = arith.constant 0 : i32
        %swap3A_416 = tpu.memref_slice %arg12[%scan3A_128, %swap3A_413, %swap3A_414, %swap3A_415] : memref<2x39x1x512xf32, #tpu.memory_space<vmem>> -> memref<1x39x1x512xf32, #tpu.memory_space<vmem>>
        %swap3A_417 = tpu.memref_squeeze %swap3A_416 : memref<1x39x1x512xf32, #tpu.memory_space<vmem>> -> memref<39x1x512xf32, #tpu.memory_space<vmem>>
        %swap3A_418 = arith.index_cast %swap3A_411 : i32 to index
        %swap3A_419 = arith.index_cast %swap3A_412 : i32 to index
        %swap3A_420 = arith.index_cast %mul3A_269 : i32 to index
        %swap3A_421 = tpu.vector_load %swap3A_417[%swap3A_418, %swap3A_419, %swap3A_420] {strides = array<i32>} : memref<39x1x512xf32, #tpu.memory_space<vmem>>, vector<1x1x16xf32>,
        %swap3A_422 = vector.shape_cast %swap3A_421 : vector<1x1x16xf32> to vector<16xf32>
        %swap3A_423 = vector.shape_cast %mul3A_410 : vector<16xf32> to vector<1x1x16xf32>
        tpu.vector_store %swap3A_417[%swap3A_418, %swap3A_419, %swap3A_420], %swap3A_423 {strides = array<i32>} : memref<39x1x512xf32, #tpu.memory_space<vmem>>, vector<1x1x16xf32>,
        %get3A_424 = arith.constant 7 : i32
        %get3A_425 = arith.constant 0 : i32
        %get3A_426 = arith.index_cast %get3A_424 : i32 to index
        %get3A_427 = arith.index_cast %get3A_425 : i32 to index
        %get3A_428 = arith.index_cast %mul3A_269 : i32 to index
        %get3A_429 = tpu.vector_load %arg9[%get3A_426, %get3A_427, %get3A_428] {strides = array<i32>} : memref<13x1x512xf32, #tpu.memory_space<vmem>>, vector<1x1x16xf32>,
        %get3A_430 = vector.shape_cast %get3A_429 : vector<1x1x16xf32> to vector<16xf32>
        %mul3A_431 = vector.broadcast %squeeze3A_116 : f32 to vector<16xf32>
        %mul3A_432 = arith.mulf %get3A_430, %mul3A_431 : vector<16xf32>
        %swap3A_433 = arith.constant 7 : i32
        %swap3A_434 = arith.constant 0 : i32
        %swap3A_435 = arith.constant 0 : i32
        %swap3A_436 = arith.constant 0 : i32
        %swap3A_437 = arith.constant 0 : i32
        %swap3A_438 = tpu.memref_slice %arg12[%scan3A_128, %swap3A_435, %swap3A_436, %swap3A_437] : memref<2x39x1x512xf32, #tpu.memory_space<vmem>> -> memref<1x39x1x512xf32, #tpu.memory_space<vmem>>
        %swap3A_439 = tpu.memref_squeeze %swap3A_438 : memref<1x39x1x512xf32, #tpu.memory_space<vmem>> -> memref<39x1x512xf32, #tpu.memory_space<vmem>>
        %swap3A_440 = arith.index_cast %swap3A_433 : i32 to index
        %swap3A_441 = arith.index_cast %swap3A_434 : i32 to index
        %swap3A_442 = arith.index_cast %mul3A_269 : i32 to index
        %swap3A_443 = tpu.vector_load %swap3A_439[%swap3A_440, %swap3A_441, %swap3A_442] {strides = array<i32>} : memref<39x1x512xf32, #tpu.memory_space<vmem>>, vector<1x1x16xf32>,
        %swap3A_444 = vector.shape_cast %swap3A_443 : vector<1x1x16xf32> to vector<16xf32>
        %swap3A_445 = vector.shape_cast %mul3A_432 : vector<16xf32> to vector<1x1x16xf32>
        tpu.vector_store %swap3A_439[%swap3A_440, %swap3A_441, %swap3A_442], %swap3A_445 {strides = array<i32>} : memref<39x1x512xf32, #tpu.memory_space<vmem>>, vector<1x1x16xf32>,
        %get3A_446 = arith.constant 8 : i32
        %get3A_447 = arith.constant 0 : i32
        %get3A_448 = arith.index_cast %get3A_446 : i32 to index
        %get3A_449 = arith.index_cast %get3A_447 : i32 to index
        %get3A_450 = arith.index_cast %mul3A_269 : i32 to index
        %get3A_451 = tpu.vector_load %arg9[%get3A_448, %get3A_449, %get3A_450] {strides = array<i32>} : memref<13x1x512xf32, #tpu.memory_space<vmem>>, vector<1x1x16xf32>,
        %get3A_452 = vector.shape_cast %get3A_451 : vector<1x1x16xf32> to vector<16xf32>
        %mul3A_453 = vector.broadcast %squeeze3A_118 : f32 to vector<16xf32>
        %mul3A_454 = arith.mulf %get3A_452, %mul3A_453 : vector<16xf32>
        %swap3A_455 = arith.constant 8 : i32
        %swap3A_456 = arith.constant 0 : i32
        %swap3A_457 = arith.constant 0 : i32
        %swap3A_458 = arith.constant 0 : i32
        %swap3A_459 = arith.constant 0 : i32
        %swap3A_460 = tpu.memref_slice %arg12[%scan3A_128, %swap3A_457, %swap3A_458, %swap3A_459] : memref<2x39x1x512xf32, #tpu.memory_space<vmem>> -> memref<1x39x1x512xf32, #tpu.memory_space<vmem>>
        %swap3A_461 = tpu.memref_squeeze %swap3A_460 : memref<1x39x1x512xf32, #tpu.memory_space<vmem>> -> memref<39x1x512xf32, #tpu.memory_space<vmem>>
        %swap3A_462 = arith.index_cast %swap3A_455 : i32 to index
        %swap3A_463 = arith.index_cast %swap3A_456 : i32 to index
        %swap3A_464 = arith.index_cast %mul3A_269 : i32 to index
        %swap3A_465 = tpu.vector_load %swap3A_461[%swap3A_462, %swap3A_463, %swap3A_464] {strides = array<i32>} : memref<39x1x512xf32, #tpu.memory_space<vmem>>, vector<1x1x16xf32>,
        %swap3A_466 = vector.shape_cast %swap3A_465 : vector<1x1x16xf32> to vector<16xf32>
        %swap3A_467 = vector.shape_cast %mul3A_454 : vector<16xf32> to vector<1x1x16xf32>
        tpu.vector_store %swap3A_461[%swap3A_462, %swap3A_463, %swap3A_464], %swap3A_467 {strides = array<i32>} : memref<39x1x512xf32, #tpu.memory_space<vmem>>, vector<1x1x16xf32>,
        %get3A_468 = arith.constant 9 : i32
        %get3A_469 = arith.constant 0 : i32
        %get3A_470 = arith.index_cast %get3A_468 : i32 to index
        %get3A_471 = arith.index_cast %get3A_469 : i32 to index
        %get3A_472 = arith.index_cast %mul3A_269 : i32 to index
        %get3A_473 = tpu.vector_load %arg9[%get3A_470, %get3A_471, %get3A_472] {strides = array<i32>} : memref<13x1x512xf32, #tpu.memory_space<vmem>>, vector<1x1x16xf32>,
        %get3A_474 = vector.shape_cast %get3A_473 : vector<1x1x16xf32> to vector<16xf32>
        %mul3A_475 = vector.broadcast %squeeze3A_120 : f32 to vector<16xf32>
        %mul3A_476 = arith.mulf %get3A_474, %mul3A_475 : vector<16xf32>
        %swap3A_477 = arith.constant 9 : i32
        %swap3A_478 = arith.constant 0 : i32
        %swap3A_479 = arith.constant 0 : i32
        %swap3A_480 = arith.constant 0 : i32
        %swap3A_481 = arith.constant 0 : i32
        %swap3A_482 = tpu.memref_slice %arg12[%scan3A_128, %swap3A_479, %swap3A_480, %swap3A_481] : memref<2x39x1x512xf32, #tpu.memory_space<vmem>> -> memref<1x39x1x512xf32, #tpu.memory_space<vmem>>
        %swap3A_483 = tpu.memref_squeeze %swap3A_482 : memref<1x39x1x512xf32, #tpu.memory_space<vmem>> -> memref<39x1x512xf32, #tpu.memory_space<vmem>>
        %swap3A_484 = arith.index_cast %swap3A_477 : i32 to index
        %swap3A_485 = arith.index_cast %swap3A_478 : i32 to index
        %swap3A_486 = arith.index_cast %mul3A_269 : i32 to index
        %swap3A_487 = tpu.vector_load %swap3A_483[%swap3A_484, %swap3A_485, %swap3A_486] {strides = array<i32>} : memref<39x1x512xf32, #tpu.memory_space<vmem>>, vector<1x1x16xf32>,
        %swap3A_488 = vector.shape_cast %swap3A_487 : vector<1x1x16xf32> to vector<16xf32>
        %swap3A_489 = vector.shape_cast %mul3A_476 : vector<16xf32> to vector<1x1x16xf32>
        tpu.vector_store %swap3A_483[%swap3A_484, %swap3A_485, %swap3A_486], %swap3A_489 {strides = array<i32>} : memref<39x1x512xf32, #tpu.memory_space<vmem>>, vector<1x1x16xf32>,
        %get3A_490 = arith.constant 10 : i32
        %get3A_491 = arith.constant 0 : i32
        %get3A_492 = arith.index_cast %get3A_490 : i32 to index
        %get3A_493 = arith.index_cast %get3A_491 : i32 to index
        %get3A_494 = arith.index_cast %mul3A_269 : i32 to index
        %get3A_495 = tpu.vector_load %arg9[%get3A_492, %get3A_493, %get3A_494] {strides = array<i32>} : memref<13x1x512xf32, #tpu.memory_space<vmem>>, vector<1x1x16xf32>,
        %get3A_496 = vector.shape_cast %get3A_495 : vector<1x1x16xf32> to vector<16xf32>
        %mul3A_497 = vector.broadcast %squeeze3A_122 : f32 to vector<16xf32>
        %mul3A_498 = arith.mulf %get3A_496, %mul3A_497 : vector<16xf32>
        %swap3A_499 = arith.constant 10 : i32
        %swap3A_500 = arith.constant 0 : i32
        %swap3A_501 = arith.constant 0 : i32
        %swap3A_502 = arith.constant 0 : i32
        %swap3A_503 = arith.constant 0 : i32
        %swap3A_504 = tpu.memref_slice %arg12[%scan3A_128, %swap3A_501, %swap3A_502, %swap3A_503] : memref<2x39x1x512xf32, #tpu.memory_space<vmem>> -> memref<1x39x1x512xf32, #tpu.memory_space<vmem>>
        %swap3A_505 = tpu.memref_squeeze %swap3A_504 : memref<1x39x1x512xf32, #tpu.memory_space<vmem>> -> memref<39x1x512xf32, #tpu.memory_space<vmem>>
        %swap3A_506 = arith.index_cast %swap3A_499 : i32 to index
        %swap3A_507 = arith.index_cast %swap3A_500 : i32 to index
        %swap3A_508 = arith.index_cast %mul3A_269 : i32 to index
        %swap3A_509 = tpu.vector_load %swap3A_505[%swap3A_506, %swap3A_507, %swap3A_508] {strides = array<i32>} : memref<39x1x512xf32, #tpu.memory_space<vmem>>, vector<1x1x16xf32>,
        %swap3A_510 = vector.shape_cast %swap3A_509 : vector<1x1x16xf32> to vector<16xf32>
        %swap3A_511 = vector.shape_cast %mul3A_498 : vector<16xf32> to vector<1x1x16xf32>
        tpu.vector_store %swap3A_505[%swap3A_506, %swap3A_507, %swap3A_508], %swap3A_511 {strides = array<i32>} : memref<39x1x512xf32, #tpu.memory_space<vmem>>, vector<1x1x16xf32>,
        %get3A_512 = arith.constant 11 : i32
        %get3A_513 = arith.constant 0 : i32
        %get3A_514 = arith.index_cast %get3A_512 : i32 to index
        %get3A_515 = arith.index_cast %get3A_513 : i32 to index
        %get3A_516 = arith.index_cast %mul3A_269 : i32 to index
        %get3A_517 = tpu.vector_load %arg9[%get3A_514, %get3A_515, %get3A_516] {strides = array<i32>} : memref<13x1x512xf32, #tpu.memory_space<vmem>>, vector<1x1x16xf32>,
        %get3A_518 = vector.shape_cast %get3A_517 : vector<1x1x16xf32> to vector<16xf32>
        %mul3A_519 = vector.broadcast %squeeze3A_124 : f32 to vector<16xf32>
        %mul3A_520 = arith.mulf %get3A_518, %mul3A_519 : vector<16xf32>
        %swap3A_521 = arith.constant 11 : i32
        %swap3A_522 = arith.constant 0 : i32
        %swap3A_523 = arith.constant 0 : i32
        %swap3A_524 = arith.constant 0 : i32
        %swap3A_525 = arith.constant 0 : i32
        %swap3A_526 = tpu.memref_slice %arg12[%scan3A_128, %swap3A_523, %swap3A_524, %swap3A_525] : memref<2x39x1x512xf32, #tpu.memory_space<vmem>> -> memref<1x39x1x512xf32, #tpu.memory_space<vmem>>
        %swap3A_527 = tpu.memref_squeeze %swap3A_526 : memref<1x39x1x512xf32, #tpu.memory_space<vmem>> -> memref<39x1x512xf32, #tpu.memory_space<vmem>>
        %swap3A_528 = arith.index_cast %swap3A_521 : i32 to index
        %swap3A_529 = arith.index_cast %swap3A_522 : i32 to index
        %swap3A_530 = arith.index_cast %mul3A_269 : i32 to index
        %swap3A_531 = tpu.vector_load %swap3A_527[%swap3A_528, %swap3A_529, %swap3A_530] {strides = array<i32>} : memref<39x1x512xf32, #tpu.memory_space<vmem>>, vector<1x1x16xf32>,
        %swap3A_532 = vector.shape_cast %swap3A_531 : vector<1x1x16xf32> to vector<16xf32>
        %swap3A_533 = vector.shape_cast %mul3A_520 : vector<16xf32> to vector<1x1x16xf32>
        tpu.vector_store %swap3A_527[%swap3A_528, %swap3A_529, %swap3A_530], %swap3A_533 {strides = array<i32>} : memref<39x1x512xf32, #tpu.memory_space<vmem>>, vector<1x1x16xf32>,
        %get3A_534 = arith.constant 12 : i32
        %get3A_535 = arith.constant 0 : i32
        %get3A_536 = arith.index_cast %get3A_534 : i32 to index
        %get3A_537 = arith.index_cast %get3A_535 : i32 to index
        %get3A_538 = arith.index_cast %mul3A_269 : i32 to index
        %get3A_539 = tpu.vector_load %arg9[%get3A_536, %get3A_537, %get3A_538] {strides = array<i32>} : memref<13x1x512xf32, #tpu.memory_space<vmem>>, vector<1x1x16xf32>,
        %get3A_540 = vector.shape_cast %get3A_539 : vector<1x1x16xf32> to vector<16xf32>
        %mul3A_541 = vector.broadcast %squeeze3A_126 : f32 to vector<16xf32>
        %mul3A_542 = arith.mulf %get3A_540, %mul3A_541 : vector<16xf32>
        %swap3A_543 = arith.constant 12 : i32
        %swap3A_544 = arith.constant 0 : i32
        %swap3A_545 = arith.constant 0 : i32
        %swap3A_546 = arith.constant 0 : i32
        %swap3A_547 = arith.constant 0 : i32
        %swap3A_548 = tpu.memref_slice %arg12[%scan3A_128, %swap3A_545, %swap3A_546, %swap3A_547] : memref<2x39x1x512xf32, #tpu.memory_space<vmem>> -> memref<1x39x1x512xf32, #tpu.memory_space<vmem>>
        %swap3A_549 = tpu.memref_squeeze %swap3A_548 : memref<1x39x1x512xf32, #tpu.memory_space<vmem>> -> memref<39x1x512xf32, #tpu.memory_space<vmem>>
        %swap3A_550 = arith.index_cast %swap3A_543 : i32 to index
        %swap3A_551 = arith.index_cast %swap3A_544 : i32 to index
        %swap3A_552 = arith.index_cast %mul3A_269 : i32 to index
        %swap3A_553 = tpu.vector_load %swap3A_549[%swap3A_550, %swap3A_551, %swap3A_552] {strides = array<i32>} : memref<39x1x512xf32, #tpu.memory_space<vmem>>, vector<1x1x16xf32>,
        %swap3A_554 = vector.shape_cast %swap3A_553 : vector<1x1x16xf32> to vector<16xf32>
        %swap3A_555 = vector.shape_cast %mul3A_542 : vector<16xf32> to vector<1x1x16xf32>
        tpu.vector_store %swap3A_549[%swap3A_550, %swap3A_551, %swap3A_552], %swap3A_555 {strides = array<i32>} : memref<39x1x512xf32, #tpu.memory_space<vmem>>, vector<1x1x16xf32>,
      }
      %scan3A_133 = arith.constant 32 : i32
      %scan3A_134 = arith.constant 0 : i32
      %scan3A_135 = arith.constant 0 : i32
      %scan3A_136 = arith.constant 0 : i32
      %scan3A_137 = arith.constant 26 : i32
      %scan3A_138 = arith.addi %scan3A_136, %scan3A_137 : i32
      %scan3A_139 = arith.constant 1 : i32
      scf.for %scan3A_267 = %scan3A_136 to %scan3A_138 step %scan3A_139  : i32 {
        %dma_wait3A_268 = arith.constant 0 : i32
        %dma_wait3A_269 = arith.constant 0 : i32
        %dma_wait3A_270 = arith.constant 13 : i32
        %dma_wait3A_271 = arith.constant 0 : i32
        %dma_wait3A_272 = arith.constant 0 : i32
        %dma_wait3A_273 = arith.constant 0 : i32
        %dma_wait3A_274 = arith.constant 0 : i32
        %dma_wait3A_275 = tpu.memref_slice %arg12[%scan3A_135, %dma_wait3A_272, %dma_wait3A_273, %dma_wait3A_274] : memref<2x39x1x512xf32, #tpu.memory_space<vmem>> -> memref<1x39x1x512xf32, #tpu.memory_space<vmem>>
        %dma_wait3A_276 = tpu.memref_squeeze %dma_wait3A_275 : memref<1x39x1x512xf32, #tpu.memory_space<vmem>> -> memref<39x1x512xf32, #tpu.memory_space<vmem>>
        %dma_wait3A_277 = arith.constant 0 : i32
        %dma_wait3A_278 = tpu.memref_slice %dma_wait3A_276[%dma_wait3A_270, %dma_wait3A_271, %dma_wait3A_277] : memref<39x1x512xf32, #tpu.memory_space<vmem>> -> memref<1x1x512xf32, #tpu.memory_space<vmem>>
        %dma_wait3A_279 = tpu.memref_squeeze %dma_wait3A_278 : memref<1x1x512xf32, #tpu.memory_space<vmem>> -> memref<512xf32, #tpu.memory_space<vmem>>
        %dma_wait3A_280 = arith.constant 0 : i32
        %dma_wait3A_281 = tpu.memref_slice %arg8[%dma_wait3A_268, %dma_wait3A_269, %dma_wait3A_280] : memref<26x1x512xi32, #tpu.memory_space<vmem>> -> memref<1x1x512xi32, #tpu.memory_space<vmem>>
        %dma_wait3A_282 = tpu.memref_squeeze %dma_wait3A_281 : memref<1x1x512xi32, #tpu.memory_space<vmem>> -> memref<512xi32, #tpu.memory_space<vmem>>
        %dma_wait3A_283 = arith.constant 0 : i32
        %dma_wait3A_284 = tpu.memref_slice %arg13[%scan3A_20, %dma_wait3A_283] : memref<1x1000064xf32, #tpu.memory_space<vmem_shared>> -> memref<1x1000064xf32, #tpu.memory_space<vmem_shared>>
        %dma_wait3A_285 = tpu.memref_squeeze %dma_wait3A_284 : memref<1x1000064xf32, #tpu.memory_space<vmem_shared>> -> memref<1000064xf32, #tpu.memory_space<vmem_shared>>
        %dma_wait3A_286 = arith.constant 0 : i32
        %dma_wait3A_287 = tpu.memref_slice %dma_wait3A_285[%dma_wait3A_286] : memref<1000064xf32, #tpu.memory_space<vmem_shared>> -> memref<1000064xf32, #tpu.memory_space<vmem_shared>>
        tpu.wait_indirect_dma semaphore(%arg16 : memref<!tpu.dma_semaphore, #tpu.memory_space<semaphore_mem>>) src(%dma_wait3A_287 : memref<1000064xf32, #tpu.memory_space<vmem_shared>>) dst(%dma_wait3A_279 : memref<512xf32, #tpu.memory_space<vmem>>)
      }
      %scan3A_140 = arith.constant 26 : i32
      %barrier3A_141 = arith.constant 0 : index
      tpu.barrier barrier_id(%barrier3A_141)
      %add3A_142 = arith.constant 1 : i32
      %add3A_143 = arith.addi %mul3A_61, %add3A_142 : i32
      %lt3A_144 = arith.constant 32 : i32
      %lt3A_145 = arith.cmpi slt, %add3A_143, %lt3A_144 : i32
      %convert_element_type3A_146 = arith.extui %lt3A_145 : i1 to i32
      %cond3A_147 = arith.constant 0 : i32
      %cond3A_148 = arith.cmpi ne, %convert_element_type3A_146, %cond3A_147 : i32
      scf.if %cond3A_148 {
        %add3A_267 = arith.constant 1 : i32
        %add3A_268 = arith.addi %mul3A_61, %add3A_267 : i32
        %min3A = arith.constant 31 : i32
        %min3A_269 = arith.minsi %add3A_268, %min3A : i32
        %mul3A_270 = arith.constant 83328 : i32
        %mul3A_271 = arith.muli %arg1, %mul3A_270 : i32
        %multiple_of3A_272 = tpu.assume_multiple %mul3A_271, 128 : i32
        %lt3A_273 = arith.constant 12 : i32
        %lt3A_274 = arith.cmpi slt, %arg1, %lt3A_273 : i32
        %convert_element_type3A_275 = arith.extui %lt3A_274 : i1 to i32
        %cond3A_276 = arith.constant 0 : i32
        %cond3A_277 = arith.cmpi ne, %convert_element_type3A_275, %cond3A_276 : i32
        scf.if %cond3A_277 {
          %dma_start3A_283 = arith.constant 0 : i32
          %dma_start3A_284 = tpu.memref_slice %arg13[%dma_start3A_283, %multiple_of3A_272] : memref<1x1000064xf32, #tpu.memory_space<vmem_shared>> -> memref<1x83328xf32, #tpu.memory_space<vmem_shared>>
          %dma_start3A_285 = tpu.memref_slice %arg4[%min3A_269, %multiple_of3A_272] : memref<32x1000000xf32, #tpu.memory_space<hbm>> -> memref<1x83328xf32, #tpu.memory_space<hbm>>
          tpu.enqueue_dma source(%dma_start3A_285 : memref<1x83328xf32, #tpu.memory_space<hbm>>) target(%dma_start3A_284 : memref<1x83328xf32, #tpu.memory_space<vmem_shared>>) target_semaphore(%arg14 : memref<!tpu.dma_semaphore, #tpu.memory_space<semaphore_mem>>)
        } else {
        }
        %eq3A_278 = arith.constant 12 : i32
        %eq3A_279 = arith.cmpi eq, %arg1, %eq3A_278 : i32
        %convert_element_type3A_280 = arith.extui %eq3A_279 : i1 to i32
        %cond3A_281 = arith.constant 0 : i32
        %cond3A_282 = arith.cmpi ne, %convert_element_type3A_280, %cond3A_281 : i32
        scf.if %cond3A_282 {
          %dma_start3A_283 = arith.constant 0 : i32
          %dma_start3A_284 = arith.constant 999936 : i32
          %dma_start3A_285 = tpu.memref_slice %arg13[%dma_start3A_283, %dma_start3A_284] : memref<1x1000064xf32, #tpu.memory_space<vmem_shared>> -> memref<1x128xf32, #tpu.memory_space<vmem_shared>>
          %dma_start3A_286 = arith.constant 0 : i32
          %dma_start3A_287 = tpu.memref_slice %arg5[%min3A_269, %dma_start3A_286] : memref<32x128xf32, #tpu.memory_space<hbm>> -> memref<1x128xf32, #tpu.memory_space<hbm>>
          tpu.enqueue_dma source(%dma_start3A_287 : memref<1x128xf32, #tpu.memory_space<hbm>>) target(%dma_start3A_285 : memref<1x128xf32, #tpu.memory_space<vmem_shared>>) target_semaphore(%arg14 : memref<!tpu.dma_semaphore, #tpu.memory_space<semaphore_mem>>)
        } else {
        }
      } else {
      }
      %dma_start3A_149 = arith.constant 0 : i32
      %dma_start3A_150 = arith.constant 0 : i32
      %dma_start3A_151 = arith.constant 0 : i32
      %dma_start3A_152 = arith.constant 0 : i32
      %dma_start3A_153 = tpu.memref_slice %arg12[%dma_start3A_149, %dma_start3A_150, %dma_start3A_151, %dma_start3A_152] : memref<2x39x1x512xf32, #tpu.memory_space<vmem>> -> memref<1x39x1x512xf32, #tpu.memory_space<vmem>>
      %dma_start3A_154 = tpu.memref_squeeze %dma_start3A_153 : memref<1x39x1x512xf32, #tpu.memory_space<vmem>> -> memref<39x1x512xf32, #tpu.memory_space<vmem>>
      %dma_start3A_155 = arith.constant 0 : i32
      %dma_start3A_156 = tpu.memref_slice %arg7[%dma_start3A_155, %mul3A_61, %add3A] : memref<39x32x16384xf32, #tpu.memory_space<hbm>> -> memref<39x1x512xf32, #tpu.memory_space<hbm>>
      %dma_start3A_157 = arith.constant 0 : i32
      %dma_start3A_158 = tpu.memref_slice %arg7[%dma_start3A_157, %mul3A_61, %add3A] : memref<39x32x16384xf32, #tpu.memory_space<hbm>> -> memref<39x1x512xf32, #tpu.memory_space<hbm>>
      %dma_start3A_159 = arith.constant 0 : i32
      %dma_start3A_160 = arith.constant 0 : i32
      %dma_start3A_161 = arith.constant 0 : i32
      %dma_start3A_162 = tpu.memref_slice %arg12[%dma_start3A_149, %dma_start3A_159, %dma_start3A_160, %dma_start3A_161] : memref<2x39x1x512xf32, #tpu.memory_space<vmem>> -> memref<1x39x1x512xf32, #tpu.memory_space<vmem>>
      %dma_start3A_163 = tpu.memref_squeeze %dma_start3A_162 : memref<1x39x1x512xf32, #tpu.memory_space<vmem>> -> memref<39x1x512xf32, #tpu.memory_space<vmem>>
      tpu.enqueue_dma source(%dma_start3A_163 : memref<39x1x512xf32, #tpu.memory_space<vmem>>) target(%dma_start3A_158 : memref<39x1x512xf32, #tpu.memory_space<hbm>>) target_semaphore(%arg17 : memref<!tpu.dma_semaphore, #tpu.memory_space<semaphore_mem>>)
      %mul3A_164 = arith.constant 83328 : i32
      %mul3A_165 = arith.muli %arg1, %mul3A_164 : i32
      %multiple_of3A_166 = tpu.assume_multiple %mul3A_165, 128 : i32
      %lt3A_167 = arith.constant 12 : i32
      %lt3A_168 = arith.cmpi slt, %arg1, %lt3A_167 : i32
      %convert_element_type3A_169 = arith.extui %lt3A_168 : i1 to i32
      %cond3A_170 = arith.constant 0 : i32
      %cond3A_171 = arith.cmpi ne, %convert_element_type3A_169, %cond3A_170 : i32
      scf.if %cond3A_171 {
        %dma_wait3A_267 = arith.constant 0 : i32
        %dma_wait3A_268 = tpu.memref_slice %arg13[%dma_wait3A_267, %multiple_of3A_166] : memref<1x1000064xf32, #tpu.memory_space<vmem_shared>> -> memref<1x83328xf32, #tpu.memory_space<vmem_shared>>
        %dma_wait3A_269 = tpu.memref_slice %arg4[%add3A_65, %multiple_of3A_166] : memref<32x1000000xf32, #tpu.memory_space<hbm>> -> memref<1x83328xf32, #tpu.memory_space<hbm>>
        tpu.wait_dma2 semaphore(%arg14 : memref<!tpu.dma_semaphore, #tpu.memory_space<semaphore_mem>>) src(%dma_wait3A_269 : memref<1x83328xf32, #tpu.memory_space<hbm>>) dst(%dma_wait3A_268 : memref<1x83328xf32, #tpu.memory_space<vmem_shared>>)
      } else {
      }
      %eq3A_172 = arith.constant 12 : i32
      %eq3A_173 = arith.cmpi eq, %arg1, %eq3A_172 : i32
      %convert_element_type3A_174 = arith.extui %eq3A_173 : i1 to i32
      %cond3A_175 = arith.constant 0 : i32
      %cond3A_176 = arith.cmpi ne, %convert_element_type3A_174, %cond3A_175 : i32
      scf.if %cond3A_176 {
        %dma_wait3A_267 = arith.constant 0 : i32
        %dma_wait3A_268 = arith.constant 999936 : i32
        %dma_wait3A_269 = tpu.memref_slice %arg13[%dma_wait3A_267, %dma_wait3A_268] : memref<1x1000064xf32, #tpu.memory_space<vmem_shared>> -> memref<1x128xf32, #tpu.memory_space<vmem_shared>>
        %dma_wait3A_270 = arith.constant 0 : i32
        %dma_wait3A_271 = tpu.memref_slice %arg5[%add3A_65, %dma_wait3A_270] : memref<32x128xf32, #tpu.memory_space<hbm>> -> memref<1x128xf32, #tpu.memory_space<hbm>>
        tpu.wait_dma2 semaphore(%arg14 : memref<!tpu.dma_semaphore, #tpu.memory_space<semaphore_mem>>) src(%dma_wait3A_271 : memref<1x128xf32, #tpu.memory_space<hbm>>) dst(%dma_wait3A_269 : memref<1x128xf32, #tpu.memory_space<vmem_shared>>)
      } else {
      }
      %barrier3A_177 = arith.constant 0 : index
      tpu.barrier barrier_id(%barrier3A_177)
      %ge3A_178 = arith.constant 2 : i32
      %ge3A_179 = arith.cmpi sge, %add3A_65, %ge3A_178 : i32
      %convert_element_type3A_180 = arith.extui %ge3A_179 : i1 to i32
      %cond3A_181 = arith.constant 1 : i32
      %cond3A_182 = arith.constant 0 : i32
      %cond3A_183 = arith.cmpi ne, %convert_element_type3A_180, %cond3A_182 : i32
      scf.if %cond3A_183 {
        %dma_wait3A_267 = arith.constant 0 : i32
        %dma_wait3A_268 = arith.constant 0 : i32
        %dma_wait3A_269 = arith.constant 0 : i32
        %dma_wait3A_270 = tpu.memref_slice %arg12[%cond3A_181, %dma_wait3A_267, %dma_wait3A_268, %dma_wait3A_269] : memref<2x39x1x512xf32, #tpu.memory_space<vmem>> -> memref<1x39x1x512xf32, #tpu.memory_space<vmem>>
        %dma_wait3A_271 = tpu.memref_squeeze %dma_wait3A_270 : memref<1x39x1x512xf32, #tpu.memory_space<vmem>> -> memref<39x1x512xf32, #tpu.memory_space<vmem>>
        %dma_wait3A_272 = arith.constant 0 : i32
        %dma_wait3A_273 = arith.constant 0 : i32
        %dma_wait3A_274 = tpu.memref_slice %arg7[%dma_wait3A_272, %dma_wait3A_273, %add3A] : memref<39x32x16384xf32, #tpu.memory_space<hbm>> -> memref<39x1x512xf32, #tpu.memory_space<hbm>>
        %dma_wait3A_275 = arith.constant 0 : i32
        %dma_wait3A_276 = arith.constant 0 : i32
        %dma_wait3A_277 = tpu.memref_slice %arg7[%dma_wait3A_275, %dma_wait3A_276, %add3A] : memref<39x32x16384xf32, #tpu.memory_space<hbm>> -> memref<39x1x512xf32, #tpu.memory_space<hbm>>
        %dma_wait3A_278 = arith.constant 0 : i32
        %dma_wait3A_279 = arith.constant 0 : i32
        %dma_wait3A_280 = arith.constant 0 : i32
        %dma_wait3A_281 = tpu.memref_slice %arg12[%cond3A_181, %dma_wait3A_278, %dma_wait3A_279, %dma_wait3A_280] : memref<2x39x1x512xf32, #tpu.memory_space<vmem>> -> memref<1x39x1x512xf32, #tpu.memory_space<vmem>>
        %dma_wait3A_282 = tpu.memref_squeeze %dma_wait3A_281 : memref<1x39x1x512xf32, #tpu.memory_space<vmem>> -> memref<39x1x512xf32, #tpu.memory_space<vmem>>
        tpu.wait_dma2 semaphore(%arg18 : memref<!tpu.dma_semaphore, #tpu.memory_space<semaphore_mem>>) src(%dma_wait3A_282 : memref<39x1x512xf32, #tpu.memory_space<vmem>>) dst(%dma_wait3A_277 : memref<39x1x512xf32, #tpu.memory_space<hbm>>)
      } else {
      }
      %dma_start3A_184 = arith.constant 0 : i32
      %dma_start3A_185 = tpu.memref_slice %arg13[%scan3A_20, %dma_start3A_184] : memref<1x1000064xf32, #tpu.memory_space<vmem_shared>> -> memref<1x1000064xf32, #tpu.memory_space<vmem_shared>>
      %dma_start3A_186 = tpu.memref_squeeze %dma_start3A_185 : memref<1x1000064xf32, #tpu.memory_space<vmem_shared>> -> memref<1000064xf32, #tpu.memory_space<vmem_shared>>
      %dma_start3A_187 = arith.constant 0 : i32
      %dma_start3A_188 = tpu.memref_slice %dma_start3A_186[%dma_start3A_187] : memref<1000064xf32, #tpu.memory_space<vmem_shared>> -> memref<1000064xf32, #tpu.memory_space<vmem_shared>>
      tpu.enqueue_indirect_dma source(%dma_start3A_188 : memref<1000064xf32, #tpu.memory_space<vmem_shared>>) target(%arg11 : memref<16xf32, #tpu.memory_space<vmem>>) offsets(%arg10 : memref<16xi32, #tpu.memory_space<vmem>>) semaphore(%arg15 : memref<!tpu.dma_semaphore, #tpu.memory_space<semaphore_mem>>)
      %scan3A_189 = arith.constant 0 : i32
      %scan3A_190 = arith.constant 1 : i32
      %scan3A_191 = arith.constant 0 : i32
      %scan3A_192 = arith.constant 26 : i32
      %scan3A_193 = arith.addi %scan3A_191, %scan3A_192 : i32
      %scan3A_194 = arith.constant 1 : i32
      scf.for %scan3A_267 = %scan3A_191 to %scan3A_193 step %scan3A_194  : i32 {
        %add3A_268 = arith.constant 13 : i32
        %add3A_269 = arith.addi %add3A_268, %scan3A_267 : i32
        %dma_start3A_270 = arith.constant 0 : i32
        %dma_start3A_271 = arith.constant 0 : i32
        %dma_start3A_272 = arith.constant 0 : i32
        %dma_start3A_273 = arith.constant 0 : i32
        %dma_start3A_274 = arith.constant 0 : i32
        %dma_start3A_275 = tpu.memref_slice %arg12[%scan3A_190, %dma_start3A_272, %dma_start3A_273, %dma_start3A_274] : memref<2x39x1x512xf32, #tpu.memory_space<vmem>> -> memref<1x39x1x512xf32, #tpu.memory_space<vmem>>
        %dma_start3A_276 = tpu.memref_squeeze %dma_start3A_275 : memref<1x39x1x512xf32, #tpu.memory_space<vmem>> -> memref<39x1x512xf32, #tpu.memory_space<vmem>>
        %dma_start3A_277 = arith.constant 0 : i32
        %dma_start3A_278 = tpu.memref_slice %dma_start3A_276[%add3A_269, %dma_start3A_271, %dma_start3A_277] : memref<39x1x512xf32, #tpu.memory_space<vmem>> -> memref<1x1x512xf32, #tpu.memory_space<vmem>>
        %dma_start3A_279 = tpu.memref_squeeze %dma_start3A_278 : memref<1x1x512xf32, #tpu.memory_space<vmem>> -> memref<512xf32, #tpu.memory_space<vmem>>
        %dma_start3A_280 = arith.constant 0 : i32
        %dma_start3A_281 = tpu.memref_slice %arg8[%scan3A_267, %dma_start3A_270, %dma_start3A_280] : memref<26x1x512xi32, #tpu.memory_space<vmem>> -> memref<1x1x512xi32, #tpu.memory_space<vmem>>
        %dma_start3A_282 = tpu.memref_squeeze %dma_start3A_281 : memref<1x1x512xi32, #tpu.memory_space<vmem>> -> memref<512xi32, #tpu.memory_space<vmem>>
        %dma_start3A_283 = arith.constant 0 : i32
        %dma_start3A_284 = tpu.memref_slice %arg13[%scan3A_20, %dma_start3A_283] : memref<1x1000064xf32, #tpu.memory_space<vmem_shared>> -> memref<1x1000064xf32, #tpu.memory_space<vmem_shared>>
        %dma_start3A_285 = tpu.memref_squeeze %dma_start3A_284 : memref<1x1000064xf32, #tpu.memory_space<vmem_shared>> -> memref<1000064xf32, #tpu.memory_space<vmem_shared>>
        %dma_start3A_286 = arith.constant 0 : i32
        %dma_start3A_287 = tpu.memref_slice %dma_start3A_285[%dma_start3A_286] : memref<1000064xf32, #tpu.memory_space<vmem_shared>> -> memref<1000064xf32, #tpu.memory_space<vmem_shared>>
        tpu.enqueue_indirect_dma source(%dma_start3A_287 : memref<1000064xf32, #tpu.memory_space<vmem_shared>>) target(%dma_start3A_279 : memref<512xf32, #tpu.memory_space<vmem>>) offsets(%dma_start3A_282 : memref<512xi32, #tpu.memory_space<vmem>>) semaphore(%arg16 : memref<!tpu.dma_semaphore, #tpu.memory_space<semaphore_mem>>)
      }
      %scan3A_195 = arith.constant 26 : i32
      %dma_wait3A_196 = arith.constant 0 : i32
      %dma_wait3A_197 = tpu.memref_slice %arg13[%scan3A_20, %dma_wait3A_196] : memref<1x1000064xf32, #tpu.memory_space<vmem_shared>> -> memref<1x1000064xf32, #tpu.memory_space<vmem_shared>>
      %dma_wait3A_198 = tpu.memref_squeeze %dma_wait3A_197 : memref<1x1000064xf32, #tpu.memory_space<vmem_shared>> -> memref<1000064xf32, #tpu.memory_space<vmem_shared>>
      %dma_wait3A_199 = arith.constant 0 : i32
      %dma_wait3A_200 = tpu.memref_slice %dma_wait3A_198[%dma_wait3A_199] : memref<1000064xf32, #tpu.memory_space<vmem_shared>> -> memref<1000064xf32, #tpu.memory_space<vmem_shared>>
      tpu.wait_indirect_dma semaphore(%arg15 : memref<!tpu.dma_semaphore, #tpu.memory_space<semaphore_mem>>) src(%dma_wait3A_200 : memref<1000064xf32, #tpu.memory_space<vmem_shared>>) dst(%arg11 : memref<16xf32, #tpu.memory_space<vmem>>)
      %get3A_201 = arith.constant 0 : index
      %get3A_202 = tpu.vector_load %arg11[%get3A_201] {strides = array<i32>} : memref<16xf32, #tpu.memory_space<vmem>>, vector<16xf32>,
      %get3A_203 = vector.shape_cast %get3A_202 : vector<16xf32> to vector<16xf32>
      %slice3A_204 = vector.extract_strided_slice %get3A_203 {offsets = [0], sizes = [1], strides = [1]} : vector<16xf32> to vector<1xf32>
      %squeeze3A_205 = vector.extract %slice3A_204[0] : f32 from vector<1xf32>
      %slice3A_206 = vector.extract_strided_slice %get3A_203 {offsets = [1], sizes = [1], strides = [1]} : vector<16xf32> to vector<1xf32>
      %squeeze3A_207 = vector.extract %slice3A_206[0] : f32 from vector<1xf32>
      %slice3A_208 = vector.extract_strided_slice %get3A_203 {offsets = [2], sizes = [1], strides = [1]} : vector<16xf32> to vector<1xf32>
      %squeeze3A_209 = vector.extract %slice3A_208[0] : f32 from vector<1xf32>
      %slice3A_210 = vector.extract_strided_slice %get3A_203 {offsets = [3], sizes = [1], strides = [1]} : vector<16xf32> to vector<1xf32>
      %squeeze3A_211 = vector.extract %slice3A_210[0] : f32 from vector<1xf32>
      %slice3A_212 = vector.extract_strided_slice %get3A_203 {offsets = [4], sizes = [1], strides = [1]} : vector<16xf32> to vector<1xf32>
      %squeeze3A_213 = vector.extract %slice3A_212[0] : f32 from vector<1xf32>
      %slice3A_214 = vector.extract_strided_slice %get3A_203 {offsets = [5], sizes = [1], strides = [1]} : vector<16xf32> to vector<1xf32>
      %squeeze3A_215 = vector.extract %slice3A_214[0] : f32 from vector<1xf32>
      %slice3A_216 = vector.extract_strided_slice %get3A_203 {offsets = [6], sizes = [1], strides = [1]} : vector<16xf32> to vector<1xf32>
      %squeeze3A_217 = vector.extract %slice3A_216[0] : f32 from vector<1xf32>
      %slice3A_218 = vector.extract_strided_slice %get3A_203 {offsets = [7], sizes = [1], strides = [1]} : vector<16xf32> to vector<1xf32>
      %squeeze3A_219 = vector.extract %slice3A_218[0] : f32 from vector<1xf32>
      %slice3A_220 = vector.extract_strided_slice %get3A_203 {offsets = [8], sizes = [1], strides = [1]} : vector<16xf32> to vector<1xf32>
      %squeeze3A_221 = vector.extract %slice3A_220[0] : f32 from vector<1xf32>
      %slice3A_222 = vector.extract_strided_slice %get3A_203 {offsets = [9], sizes = [1], strides = [1]} : vector<16xf32> to vector<1xf32>
      %squeeze3A_223 = vector.extract %slice3A_222[0] : f32 from vector<1xf32>
      %slice3A_224 = vector.extract_strided_slice %get3A_203 {offsets = [10], sizes = [1], strides = [1]} : vector<16xf32> to vector<1xf32>
      %squeeze3A_225 = vector.extract %slice3A_224[0] : f32 from vector<1xf32>
      %slice3A_226 = vector.extract_strided_slice %get3A_203 {offsets = [11], sizes = [1], strides = [1]} : vector<16xf32> to vector<1xf32>
      %squeeze3A_227 = vector.extract %slice3A_226[0] : f32 from vector<1xf32>
      %slice3A_228 = vector.extract_strided_slice %get3A_203 {offsets = [12], sizes = [1], strides = [1]} : vector<16xf32> to vector<1xf32>
      %squeeze3A_229 = vector.extract %slice3A_228[0] : f32 from vector<1xf32>
      %scan3A_230 = arith.constant 0 : i32
      %scan3A_231 = arith.constant 1 : i32
      %scan3A_232 = arith.constant 0 : i32
      %scan3A_233 = arith.constant 32 : i32
      %scan3A_234 = arith.addi %scan3A_232, %scan3A_233 : i32
      %scan3A_235 = arith.constant 1 : i32
      scf.for %scan3A_267 = %scan3A_232 to %scan3A_234 step %scan3A_235  : i32 {
        %mul3A_268 = arith.constant 16 : i32
        %mul3A_269 = arith.muli %scan3A_267, %mul3A_268 : i32
        %get3A_270 = arith.constant 0 : i32
        %get3A_271 = arith.constant 0 : i32
        %get3A_272 = arith.index_cast %get3A_270 : i32 to index
        %get3A_273 = arith.index_cast %get3A_271 : i32 to index
        %get3A_274 = arith.index_cast %mul3A_269 : i32 to index
        %get3A_275 = tpu.vector_load %arg9[%get3A_272, %get3A_273, %get3A_274] {strides = array<i32>} : memref<13x1x512xf32, #tpu.memory_space<vmem>>, vector<1x1x16xf32>,
        %get3A_276 = vector.shape_cast %get3A_275 : vector<1x1x16xf32> to vector<16xf32>
        %mul3A_277 = vector.broadcast %squeeze3A_205 : f32 to vector<16xf32>
        %mul3A_278 = arith.mulf %get3A_276, %mul3A_277 : vector<16xf32>
        %swap3A_279 = arith.constant 0 : i32
        %swap3A_280 = arith.constant 0 : i32
        %swap3A_281 = arith.constant 0 : i32
        %swap3A_282 = arith.constant 0 : i32
        %swap3A_283 = arith.constant 0 : i32
        %swap3A_284 = tpu.memref_slice %arg12[%scan3A_231, %swap3A_281, %swap3A_282, %swap3A_283] : memref<2x39x1x512xf32, #tpu.memory_space<vmem>> -> memref<1x39x1x512xf32, #tpu.memory_space<vmem>>
        %swap3A_285 = tpu.memref_squeeze %swap3A_284 : memref<1x39x1x512xf32, #tpu.memory_space<vmem>> -> memref<39x1x512xf32, #tpu.memory_space<vmem>>
        %swap3A_286 = arith.index_cast %swap3A_279 : i32 to index
        %swap3A_287 = arith.index_cast %swap3A_280 : i32 to index
        %swap3A_288 = arith.index_cast %mul3A_269 : i32 to index
        %swap3A_289 = tpu.vector_load %swap3A_285[%swap3A_286, %swap3A_287, %swap3A_288] {strides = array<i32>} : memref<39x1x512xf32, #tpu.memory_space<vmem>>, vector<1x1x16xf32>,
        %swap3A_290 = vector.shape_cast %swap3A_289 : vector<1x1x16xf32> to vector<16xf32>
        %swap3A_291 = vector.shape_cast %mul3A_278 : vector<16xf32> to vector<1x1x16xf32>
        tpu.vector_store %swap3A_285[%swap3A_286, %swap3A_287, %swap3A_288], %swap3A_291 {strides = array<i32>} : memref<39x1x512xf32, #tpu.memory_space<vmem>>, vector<1x1x16xf32>,
        %get3A_292 = arith.constant 1 : i32
        %get3A_293 = arith.constant 0 : i32
        %get3A_294 = arith.index_cast %get3A_292 : i32 to index
        %get3A_295 = arith.index_cast %get3A_293 : i32 to index
        %get3A_296 = arith.index_cast %mul3A_269 : i32 to index
        %get3A_297 = tpu.vector_load %arg9[%get3A_294, %get3A_295, %get3A_296] {strides = array<i32>} : memref<13x1x512xf32, #tpu.memory_space<vmem>>, vector<1x1x16xf32>,
        %get3A_298 = vector.shape_cast %get3A_297 : vector<1x1x16xf32> to vector<16xf32>
        %mul3A_299 = vector.broadcast %squeeze3A_207 : f32 to vector<16xf32>
        %mul3A_300 = arith.mulf %get3A_298, %mul3A_299 : vector<16xf32>
        %swap3A_301 = arith.constant 1 : i32
        %swap3A_302 = arith.constant 0 : i32
        %swap3A_303 = arith.constant 0 : i32
        %swap3A_304 = arith.constant 0 : i32
        %swap3A_305 = arith.constant 0 : i32
        %swap3A_306 = tpu.memref_slice %arg12[%scan3A_231, %swap3A_303, %swap3A_304, %swap3A_305] : memref<2x39x1x512xf32, #tpu.memory_space<vmem>> -> memref<1x39x1x512xf32, #tpu.memory_space<vmem>>
        %swap3A_307 = tpu.memref_squeeze %swap3A_306 : memref<1x39x1x512xf32, #tpu.memory_space<vmem>> -> memref<39x1x512xf32, #tpu.memory_space<vmem>>
        %swap3A_308 = arith.index_cast %swap3A_301 : i32 to index
        %swap3A_309 = arith.index_cast %swap3A_302 : i32 to index
        %swap3A_310 = arith.index_cast %mul3A_269 : i32 to index
        %swap3A_311 = tpu.vector_load %swap3A_307[%swap3A_308, %swap3A_309, %swap3A_310] {strides = array<i32>} : memref<39x1x512xf32, #tpu.memory_space<vmem>>, vector<1x1x16xf32>,
        %swap3A_312 = vector.shape_cast %swap3A_311 : vector<1x1x16xf32> to vector<16xf32>
        %swap3A_313 = vector.shape_cast %mul3A_300 : vector<16xf32> to vector<1x1x16xf32>
        tpu.vector_store %swap3A_307[%swap3A_308, %swap3A_309, %swap3A_310], %swap3A_313 {strides = array<i32>} : memref<39x1x512xf32, #tpu.memory_space<vmem>>, vector<1x1x16xf32>,
        %get3A_314 = arith.constant 2 : i32
        %get3A_315 = arith.constant 0 : i32
        %get3A_316 = arith.index_cast %get3A_314 : i32 to index
        %get3A_317 = arith.index_cast %get3A_315 : i32 to index
        %get3A_318 = arith.index_cast %mul3A_269 : i32 to index
        %get3A_319 = tpu.vector_load %arg9[%get3A_316, %get3A_317, %get3A_318] {strides = array<i32>} : memref<13x1x512xf32, #tpu.memory_space<vmem>>, vector<1x1x16xf32>,
        %get3A_320 = vector.shape_cast %get3A_319 : vector<1x1x16xf32> to vector<16xf32>
        %mul3A_321 = vector.broadcast %squeeze3A_209 : f32 to vector<16xf32>
        %mul3A_322 = arith.mulf %get3A_320, %mul3A_321 : vector<16xf32>
        %swap3A_323 = arith.constant 2 : i32
        %swap3A_324 = arith.constant 0 : i32
        %swap3A_325 = arith.constant 0 : i32
        %swap3A_326 = arith.constant 0 : i32
        %swap3A_327 = arith.constant 0 : i32
        %swap3A_328 = tpu.memref_slice %arg12[%scan3A_231, %swap3A_325, %swap3A_326, %swap3A_327] : memref<2x39x1x512xf32, #tpu.memory_space<vmem>> -> memref<1x39x1x512xf32, #tpu.memory_space<vmem>>
        %swap3A_329 = tpu.memref_squeeze %swap3A_328 : memref<1x39x1x512xf32, #tpu.memory_space<vmem>> -> memref<39x1x512xf32, #tpu.memory_space<vmem>>
        %swap3A_330 = arith.index_cast %swap3A_323 : i32 to index
        %swap3A_331 = arith.index_cast %swap3A_324 : i32 to index
        %swap3A_332 = arith.index_cast %mul3A_269 : i32 to index
        %swap3A_333 = tpu.vector_load %swap3A_329[%swap3A_330, %swap3A_331, %swap3A_332] {strides = array<i32>} : memref<39x1x512xf32, #tpu.memory_space<vmem>>, vector<1x1x16xf32>,
        %swap3A_334 = vector.shape_cast %swap3A_333 : vector<1x1x16xf32> to vector<16xf32>
        %swap3A_335 = vector.shape_cast %mul3A_322 : vector<16xf32> to vector<1x1x16xf32>
        tpu.vector_store %swap3A_329[%swap3A_330, %swap3A_331, %swap3A_332], %swap3A_335 {strides = array<i32>} : memref<39x1x512xf32, #tpu.memory_space<vmem>>, vector<1x1x16xf32>,
        %get3A_336 = arith.constant 3 : i32
        %get3A_337 = arith.constant 0 : i32
        %get3A_338 = arith.index_cast %get3A_336 : i32 to index
        %get3A_339 = arith.index_cast %get3A_337 : i32 to index
        %get3A_340 = arith.index_cast %mul3A_269 : i32 to index
        %get3A_341 = tpu.vector_load %arg9[%get3A_338, %get3A_339, %get3A_340] {strides = array<i32>} : memref<13x1x512xf32, #tpu.memory_space<vmem>>, vector<1x1x16xf32>,
        %get3A_342 = vector.shape_cast %get3A_341 : vector<1x1x16xf32> to vector<16xf32>
        %mul3A_343 = vector.broadcast %squeeze3A_211 : f32 to vector<16xf32>
        %mul3A_344 = arith.mulf %get3A_342, %mul3A_343 : vector<16xf32>
        %swap3A_345 = arith.constant 3 : i32
        %swap3A_346 = arith.constant 0 : i32
        %swap3A_347 = arith.constant 0 : i32
        %swap3A_348 = arith.constant 0 : i32
        %swap3A_349 = arith.constant 0 : i32
        %swap3A_350 = tpu.memref_slice %arg12[%scan3A_231, %swap3A_347, %swap3A_348, %swap3A_349] : memref<2x39x1x512xf32, #tpu.memory_space<vmem>> -> memref<1x39x1x512xf32, #tpu.memory_space<vmem>>
        %swap3A_351 = tpu.memref_squeeze %swap3A_350 : memref<1x39x1x512xf32, #tpu.memory_space<vmem>> -> memref<39x1x512xf32, #tpu.memory_space<vmem>>
        %swap3A_352 = arith.index_cast %swap3A_345 : i32 to index
        %swap3A_353 = arith.index_cast %swap3A_346 : i32 to index
        %swap3A_354 = arith.index_cast %mul3A_269 : i32 to index
        %swap3A_355 = tpu.vector_load %swap3A_351[%swap3A_352, %swap3A_353, %swap3A_354] {strides = array<i32>} : memref<39x1x512xf32, #tpu.memory_space<vmem>>, vector<1x1x16xf32>,
        %swap3A_356 = vector.shape_cast %swap3A_355 : vector<1x1x16xf32> to vector<16xf32>
        %swap3A_357 = vector.shape_cast %mul3A_344 : vector<16xf32> to vector<1x1x16xf32>
        tpu.vector_store %swap3A_351[%swap3A_352, %swap3A_353, %swap3A_354], %swap3A_357 {strides = array<i32>} : memref<39x1x512xf32, #tpu.memory_space<vmem>>, vector<1x1x16xf32>,
        %get3A_358 = arith.constant 4 : i32
        %get3A_359 = arith.constant 0 : i32
        %get3A_360 = arith.index_cast %get3A_358 : i32 to index
        %get3A_361 = arith.index_cast %get3A_359 : i32 to index
        %get3A_362 = arith.index_cast %mul3A_269 : i32 to index
        %get3A_363 = tpu.vector_load %arg9[%get3A_360, %get3A_361, %get3A_362] {strides = array<i32>} : memref<13x1x512xf32, #tpu.memory_space<vmem>>, vector<1x1x16xf32>,
        %get3A_364 = vector.shape_cast %get3A_363 : vector<1x1x16xf32> to vector<16xf32>
        %mul3A_365 = vector.broadcast %squeeze3A_213 : f32 to vector<16xf32>
        %mul3A_366 = arith.mulf %get3A_364, %mul3A_365 : vector<16xf32>
        %swap3A_367 = arith.constant 4 : i32
        %swap3A_368 = arith.constant 0 : i32
        %swap3A_369 = arith.constant 0 : i32
        %swap3A_370 = arith.constant 0 : i32
        %swap3A_371 = arith.constant 0 : i32
        %swap3A_372 = tpu.memref_slice %arg12[%scan3A_231, %swap3A_369, %swap3A_370, %swap3A_371] : memref<2x39x1x512xf32, #tpu.memory_space<vmem>> -> memref<1x39x1x512xf32, #tpu.memory_space<vmem>>
        %swap3A_373 = tpu.memref_squeeze %swap3A_372 : memref<1x39x1x512xf32, #tpu.memory_space<vmem>> -> memref<39x1x512xf32, #tpu.memory_space<vmem>>
        %swap3A_374 = arith.index_cast %swap3A_367 : i32 to index
        %swap3A_375 = arith.index_cast %swap3A_368 : i32 to index
        %swap3A_376 = arith.index_cast %mul3A_269 : i32 to index
        %swap3A_377 = tpu.vector_load %swap3A_373[%swap3A_374, %swap3A_375, %swap3A_376] {strides = array<i32>} : memref<39x1x512xf32, #tpu.memory_space<vmem>>, vector<1x1x16xf32>,
        %swap3A_378 = vector.shape_cast %swap3A_377 : vector<1x1x16xf32> to vector<16xf32>
        %swap3A_379 = vector.shape_cast %mul3A_366 : vector<16xf32> to vector<1x1x16xf32>
        tpu.vector_store %swap3A_373[%swap3A_374, %swap3A_375, %swap3A_376], %swap3A_379 {strides = array<i32>} : memref<39x1x512xf32, #tpu.memory_space<vmem>>, vector<1x1x16xf32>,
        %get3A_380 = arith.constant 5 : i32
        %get3A_381 = arith.constant 0 : i32
        %get3A_382 = arith.index_cast %get3A_380 : i32 to index
        %get3A_383 = arith.index_cast %get3A_381 : i32 to index
        %get3A_384 = arith.index_cast %mul3A_269 : i32 to index
        %get3A_385 = tpu.vector_load %arg9[%get3A_382, %get3A_383, %get3A_384] {strides = array<i32>} : memref<13x1x512xf32, #tpu.memory_space<vmem>>, vector<1x1x16xf32>,
        %get3A_386 = vector.shape_cast %get3A_385 : vector<1x1x16xf32> to vector<16xf32>
        %mul3A_387 = vector.broadcast %squeeze3A_215 : f32 to vector<16xf32>
        %mul3A_388 = arith.mulf %get3A_386, %mul3A_387 : vector<16xf32>
        %swap3A_389 = arith.constant 5 : i32
        %swap3A_390 = arith.constant 0 : i32
        %swap3A_391 = arith.constant 0 : i32
        %swap3A_392 = arith.constant 0 : i32
        %swap3A_393 = arith.constant 0 : i32
        %swap3A_394 = tpu.memref_slice %arg12[%scan3A_231, %swap3A_391, %swap3A_392, %swap3A_393] : memref<2x39x1x512xf32, #tpu.memory_space<vmem>> -> memref<1x39x1x512xf32, #tpu.memory_space<vmem>>
        %swap3A_395 = tpu.memref_squeeze %swap3A_394 : memref<1x39x1x512xf32, #tpu.memory_space<vmem>> -> memref<39x1x512xf32, #tpu.memory_space<vmem>>
        %swap3A_396 = arith.index_cast %swap3A_389 : i32 to index
        %swap3A_397 = arith.index_cast %swap3A_390 : i32 to index
        %swap3A_398 = arith.index_cast %mul3A_269 : i32 to index
        %swap3A_399 = tpu.vector_load %swap3A_395[%swap3A_396, %swap3A_397, %swap3A_398] {strides = array<i32>} : memref<39x1x512xf32, #tpu.memory_space<vmem>>, vector<1x1x16xf32>,
        %swap3A_400 = vector.shape_cast %swap3A_399 : vector<1x1x16xf32> to vector<16xf32>
        %swap3A_401 = vector.shape_cast %mul3A_388 : vector<16xf32> to vector<1x1x16xf32>
        tpu.vector_store %swap3A_395[%swap3A_396, %swap3A_397, %swap3A_398], %swap3A_401 {strides = array<i32>} : memref<39x1x512xf32, #tpu.memory_space<vmem>>, vector<1x1x16xf32>,
        %get3A_402 = arith.constant 6 : i32
        %get3A_403 = arith.constant 0 : i32
        %get3A_404 = arith.index_cast %get3A_402 : i32 to index
        %get3A_405 = arith.index_cast %get3A_403 : i32 to index
        %get3A_406 = arith.index_cast %mul3A_269 : i32 to index
        %get3A_407 = tpu.vector_load %arg9[%get3A_404, %get3A_405, %get3A_406] {strides = array<i32>} : memref<13x1x512xf32, #tpu.memory_space<vmem>>, vector<1x1x16xf32>,
        %get3A_408 = vector.shape_cast %get3A_407 : vector<1x1x16xf32> to vector<16xf32>
        %mul3A_409 = vector.broadcast %squeeze3A_217 : f32 to vector<16xf32>
        %mul3A_410 = arith.mulf %get3A_408, %mul3A_409 : vector<16xf32>
        %swap3A_411 = arith.constant 6 : i32
        %swap3A_412 = arith.constant 0 : i32
        %swap3A_413 = arith.constant 0 : i32
        %swap3A_414 = arith.constant 0 : i32
        %swap3A_415 = arith.constant 0 : i32
        %swap3A_416 = tpu.memref_slice %arg12[%scan3A_231, %swap3A_413, %swap3A_414, %swap3A_415] : memref<2x39x1x512xf32, #tpu.memory_space<vmem>> -> memref<1x39x1x512xf32, #tpu.memory_space<vmem>>
        %swap3A_417 = tpu.memref_squeeze %swap3A_416 : memref<1x39x1x512xf32, #tpu.memory_space<vmem>> -> memref<39x1x512xf32, #tpu.memory_space<vmem>>
        %swap3A_418 = arith.index_cast %swap3A_411 : i32 to index
        %swap3A_419 = arith.index_cast %swap3A_412 : i32 to index
        %swap3A_420 = arith.index_cast %mul3A_269 : i32 to index
        %swap3A_421 = tpu.vector_load %swap3A_417[%swap3A_418, %swap3A_419, %swap3A_420] {strides = array<i32>} : memref<39x1x512xf32, #tpu.memory_space<vmem>>, vector<1x1x16xf32>,
        %swap3A_422 = vector.shape_cast %swap3A_421 : vector<1x1x16xf32> to vector<16xf32>
        %swap3A_423 = vector.shape_cast %mul3A_410 : vector<16xf32> to vector<1x1x16xf32>
        tpu.vector_store %swap3A_417[%swap3A_418, %swap3A_419, %swap3A_420], %swap3A_423 {strides = array<i32>} : memref<39x1x512xf32, #tpu.memory_space<vmem>>, vector<1x1x16xf32>,
        %get3A_424 = arith.constant 7 : i32
        %get3A_425 = arith.constant 0 : i32
        %get3A_426 = arith.index_cast %get3A_424 : i32 to index
        %get3A_427 = arith.index_cast %get3A_425 : i32 to index
        %get3A_428 = arith.index_cast %mul3A_269 : i32 to index
        %get3A_429 = tpu.vector_load %arg9[%get3A_426, %get3A_427, %get3A_428] {strides = array<i32>} : memref<13x1x512xf32, #tpu.memory_space<vmem>>, vector<1x1x16xf32>,
        %get3A_430 = vector.shape_cast %get3A_429 : vector<1x1x16xf32> to vector<16xf32>
        %mul3A_431 = vector.broadcast %squeeze3A_219 : f32 to vector<16xf32>
        %mul3A_432 = arith.mulf %get3A_430, %mul3A_431 : vector<16xf32>
        %swap3A_433 = arith.constant 7 : i32
        %swap3A_434 = arith.constant 0 : i32
        %swap3A_435 = arith.constant 0 : i32
        %swap3A_436 = arith.constant 0 : i32
        %swap3A_437 = arith.constant 0 : i32
        %swap3A_438 = tpu.memref_slice %arg12[%scan3A_231, %swap3A_435, %swap3A_436, %swap3A_437] : memref<2x39x1x512xf32, #tpu.memory_space<vmem>> -> memref<1x39x1x512xf32, #tpu.memory_space<vmem>>
        %swap3A_439 = tpu.memref_squeeze %swap3A_438 : memref<1x39x1x512xf32, #tpu.memory_space<vmem>> -> memref<39x1x512xf32, #tpu.memory_space<vmem>>
        %swap3A_440 = arith.index_cast %swap3A_433 : i32 to index
        %swap3A_441 = arith.index_cast %swap3A_434 : i32 to index
        %swap3A_442 = arith.index_cast %mul3A_269 : i32 to index
        %swap3A_443 = tpu.vector_load %swap3A_439[%swap3A_440, %swap3A_441, %swap3A_442] {strides = array<i32>} : memref<39x1x512xf32, #tpu.memory_space<vmem>>, vector<1x1x16xf32>,
        %swap3A_444 = vector.shape_cast %swap3A_443 : vector<1x1x16xf32> to vector<16xf32>
        %swap3A_445 = vector.shape_cast %mul3A_432 : vector<16xf32> to vector<1x1x16xf32>
        tpu.vector_store %swap3A_439[%swap3A_440, %swap3A_441, %swap3A_442], %swap3A_445 {strides = array<i32>} : memref<39x1x512xf32, #tpu.memory_space<vmem>>, vector<1x1x16xf32>,
        %get3A_446 = arith.constant 8 : i32
        %get3A_447 = arith.constant 0 : i32
        %get3A_448 = arith.index_cast %get3A_446 : i32 to index
        %get3A_449 = arith.index_cast %get3A_447 : i32 to index
        %get3A_450 = arith.index_cast %mul3A_269 : i32 to index
        %get3A_451 = tpu.vector_load %arg9[%get3A_448, %get3A_449, %get3A_450] {strides = array<i32>} : memref<13x1x512xf32, #tpu.memory_space<vmem>>, vector<1x1x16xf32>,
        %get3A_452 = vector.shape_cast %get3A_451 : vector<1x1x16xf32> to vector<16xf32>
        %mul3A_453 = vector.broadcast %squeeze3A_221 : f32 to vector<16xf32>
        %mul3A_454 = arith.mulf %get3A_452, %mul3A_453 : vector<16xf32>
        %swap3A_455 = arith.constant 8 : i32
        %swap3A_456 = arith.constant 0 : i32
        %swap3A_457 = arith.constant 0 : i32
        %swap3A_458 = arith.constant 0 : i32
        %swap3A_459 = arith.constant 0 : i32
        %swap3A_460 = tpu.memref_slice %arg12[%scan3A_231, %swap3A_457, %swap3A_458, %swap3A_459] : memref<2x39x1x512xf32, #tpu.memory_space<vmem>> -> memref<1x39x1x512xf32, #tpu.memory_space<vmem>>
        %swap3A_461 = tpu.memref_squeeze %swap3A_460 : memref<1x39x1x512xf32, #tpu.memory_space<vmem>> -> memref<39x1x512xf32, #tpu.memory_space<vmem>>
        %swap3A_462 = arith.index_cast %swap3A_455 : i32 to index
        %swap3A_463 = arith.index_cast %swap3A_456 : i32 to index
        %swap3A_464 = arith.index_cast %mul3A_269 : i32 to index
        %swap3A_465 = tpu.vector_load %swap3A_461[%swap3A_462, %swap3A_463, %swap3A_464] {strides = array<i32>} : memref<39x1x512xf32, #tpu.memory_space<vmem>>, vector<1x1x16xf32>,
        %swap3A_466 = vector.shape_cast %swap3A_465 : vector<1x1x16xf32> to vector<16xf32>
        %swap3A_467 = vector.shape_cast %mul3A_454 : vector<16xf32> to vector<1x1x16xf32>
        tpu.vector_store %swap3A_461[%swap3A_462, %swap3A_463, %swap3A_464], %swap3A_467 {strides = array<i32>} : memref<39x1x512xf32, #tpu.memory_space<vmem>>, vector<1x1x16xf32>,
        %get3A_468 = arith.constant 9 : i32
        %get3A_469 = arith.constant 0 : i32
        %get3A_470 = arith.index_cast %get3A_468 : i32 to index
        %get3A_471 = arith.index_cast %get3A_469 : i32 to index
        %get3A_472 = arith.index_cast %mul3A_269 : i32 to index
        %get3A_473 = tpu.vector_load %arg9[%get3A_470, %get3A_471, %get3A_472] {strides = array<i32>} : memref<13x1x512xf32, #tpu.memory_space<vmem>>, vector<1x1x16xf32>,
        %get3A_474 = vector.shape_cast %get3A_473 : vector<1x1x16xf32> to vector<16xf32>
        %mul3A_475 = vector.broadcast %squeeze3A_223 : f32 to vector<16xf32>
        %mul3A_476 = arith.mulf %get3A_474, %mul3A_475 : vector<16xf32>
        %swap3A_477 = arith.constant 9 : i32
        %swap3A_478 = arith.constant 0 : i32
        %swap3A_479 = arith.constant 0 : i32
        %swap3A_480 = arith.constant 0 : i32
        %swap3A_481 = arith.constant 0 : i32
        %swap3A_482 = tpu.memref_slice %arg12[%scan3A_231, %swap3A_479, %swap3A_480, %swap3A_481] : memref<2x39x1x512xf32, #tpu.memory_space<vmem>> -> memref<1x39x1x512xf32, #tpu.memory_space<vmem>>
        %swap3A_483 = tpu.memref_squeeze %swap3A_482 : memref<1x39x1x512xf32, #tpu.memory_space<vmem>> -> memref<39x1x512xf32, #tpu.memory_space<vmem>>
        %swap3A_484 = arith.index_cast %swap3A_477 : i32 to index
        %swap3A_485 = arith.index_cast %swap3A_478 : i32 to index
        %swap3A_486 = arith.index_cast %mul3A_269 : i32 to index
        %swap3A_487 = tpu.vector_load %swap3A_483[%swap3A_484, %swap3A_485, %swap3A_486] {strides = array<i32>} : memref<39x1x512xf32, #tpu.memory_space<vmem>>, vector<1x1x16xf32>,
        %swap3A_488 = vector.shape_cast %swap3A_487 : vector<1x1x16xf32> to vector<16xf32>
        %swap3A_489 = vector.shape_cast %mul3A_476 : vector<16xf32> to vector<1x1x16xf32>
        tpu.vector_store %swap3A_483[%swap3A_484, %swap3A_485, %swap3A_486], %swap3A_489 {strides = array<i32>} : memref<39x1x512xf32, #tpu.memory_space<vmem>>, vector<1x1x16xf32>,
        %get3A_490 = arith.constant 10 : i32
        %get3A_491 = arith.constant 0 : i32
        %get3A_492 = arith.index_cast %get3A_490 : i32 to index
        %get3A_493 = arith.index_cast %get3A_491 : i32 to index
        %get3A_494 = arith.index_cast %mul3A_269 : i32 to index
        %get3A_495 = tpu.vector_load %arg9[%get3A_492, %get3A_493, %get3A_494] {strides = array<i32>} : memref<13x1x512xf32, #tpu.memory_space<vmem>>, vector<1x1x16xf32>,
        %get3A_496 = vector.shape_cast %get3A_495 : vector<1x1x16xf32> to vector<16xf32>
        %mul3A_497 = vector.broadcast %squeeze3A_225 : f32 to vector<16xf32>
        %mul3A_498 = arith.mulf %get3A_496, %mul3A_497 : vector<16xf32>
        %swap3A_499 = arith.constant 10 : i32
        %swap3A_500 = arith.constant 0 : i32
        %swap3A_501 = arith.constant 0 : i32
        %swap3A_502 = arith.constant 0 : i32
        %swap3A_503 = arith.constant 0 : i32
        %swap3A_504 = tpu.memref_slice %arg12[%scan3A_231, %swap3A_501, %swap3A_502, %swap3A_503] : memref<2x39x1x512xf32, #tpu.memory_space<vmem>> -> memref<1x39x1x512xf32, #tpu.memory_space<vmem>>
        %swap3A_505 = tpu.memref_squeeze %swap3A_504 : memref<1x39x1x512xf32, #tpu.memory_space<vmem>> -> memref<39x1x512xf32, #tpu.memory_space<vmem>>
        %swap3A_506 = arith.index_cast %swap3A_499 : i32 to index
        %swap3A_507 = arith.index_cast %swap3A_500 : i32 to index
        %swap3A_508 = arith.index_cast %mul3A_269 : i32 to index
        %swap3A_509 = tpu.vector_load %swap3A_505[%swap3A_506, %swap3A_507, %swap3A_508] {strides = array<i32>} : memref<39x1x512xf32, #tpu.memory_space<vmem>>, vector<1x1x16xf32>,
        %swap3A_510 = vector.shape_cast %swap3A_509 : vector<1x1x16xf32> to vector<16xf32>
        %swap3A_511 = vector.shape_cast %mul3A_498 : vector<16xf32> to vector<1x1x16xf32>
        tpu.vector_store %swap3A_505[%swap3A_506, %swap3A_507, %swap3A_508], %swap3A_511 {strides = array<i32>} : memref<39x1x512xf32, #tpu.memory_space<vmem>>, vector<1x1x16xf32>,
        %get3A_512 = arith.constant 11 : i32
        %get3A_513 = arith.constant 0 : i32
        %get3A_514 = arith.index_cast %get3A_512 : i32 to index
        %get3A_515 = arith.index_cast %get3A_513 : i32 to index
        %get3A_516 = arith.index_cast %mul3A_269 : i32 to index
        %get3A_517 = tpu.vector_load %arg9[%get3A_514, %get3A_515, %get3A_516] {strides = array<i32>} : memref<13x1x512xf32, #tpu.memory_space<vmem>>, vector<1x1x16xf32>,
        %get3A_518 = vector.shape_cast %get3A_517 : vector<1x1x16xf32> to vector<16xf32>
        %mul3A_519 = vector.broadcast %squeeze3A_227 : f32 to vector<16xf32>
        %mul3A_520 = arith.mulf %get3A_518, %mul3A_519 : vector<16xf32>
        %swap3A_521 = arith.constant 11 : i32
        %swap3A_522 = arith.constant 0 : i32
        %swap3A_523 = arith.constant 0 : i32
        %swap3A_524 = arith.constant 0 : i32
        %swap3A_525 = arith.constant 0 : i32
        %swap3A_526 = tpu.memref_slice %arg12[%scan3A_231, %swap3A_523, %swap3A_524, %swap3A_525] : memref<2x39x1x512xf32, #tpu.memory_space<vmem>> -> memref<1x39x1x512xf32, #tpu.memory_space<vmem>>
        %swap3A_527 = tpu.memref_squeeze %swap3A_526 : memref<1x39x1x512xf32, #tpu.memory_space<vmem>> -> memref<39x1x512xf32, #tpu.memory_space<vmem>>
        %swap3A_528 = arith.index_cast %swap3A_521 : i32 to index
        %swap3A_529 = arith.index_cast %swap3A_522 : i32 to index
        %swap3A_530 = arith.index_cast %mul3A_269 : i32 to index
        %swap3A_531 = tpu.vector_load %swap3A_527[%swap3A_528, %swap3A_529, %swap3A_530] {strides = array<i32>} : memref<39x1x512xf32, #tpu.memory_space<vmem>>, vector<1x1x16xf32>,
        %swap3A_532 = vector.shape_cast %swap3A_531 : vector<1x1x16xf32> to vector<16xf32>
        %swap3A_533 = vector.shape_cast %mul3A_520 : vector<16xf32> to vector<1x1x16xf32>
        tpu.vector_store %swap3A_527[%swap3A_528, %swap3A_529, %swap3A_530], %swap3A_533 {strides = array<i32>} : memref<39x1x512xf32, #tpu.memory_space<vmem>>, vector<1x1x16xf32>,
        %get3A_534 = arith.constant 12 : i32
        %get3A_535 = arith.constant 0 : i32
        %get3A_536 = arith.index_cast %get3A_534 : i32 to index
        %get3A_537 = arith.index_cast %get3A_535 : i32 to index
        %get3A_538 = arith.index_cast %mul3A_269 : i32 to index
        %get3A_539 = tpu.vector_load %arg9[%get3A_536, %get3A_537, %get3A_538] {strides = array<i32>} : memref<13x1x512xf32, #tpu.memory_space<vmem>>, vector<1x1x16xf32>,
        %get3A_540 = vector.shape_cast %get3A_539 : vector<1x1x16xf32> to vector<16xf32>
        %mul3A_541 = vector.broadcast %squeeze3A_229 : f32 to vector<16xf32>
        %mul3A_542 = arith.mulf %get3A_540, %mul3A_541 : vector<16xf32>
        %swap3A_543 = arith.constant 12 : i32
        %swap3A_544 = arith.constant 0 : i32
        %swap3A_545 = arith.constant 0 : i32
        %swap3A_546 = arith.constant 0 : i32
        %swap3A_547 = arith.constant 0 : i32
        %swap3A_548 = tpu.memref_slice %arg12[%scan3A_231, %swap3A_545, %swap3A_546, %swap3A_547] : memref<2x39x1x512xf32, #tpu.memory_space<vmem>> -> memref<1x39x1x512xf32, #tpu.memory_space<vmem>>
        %swap3A_549 = tpu.memref_squeeze %swap3A_548 : memref<1x39x1x512xf32, #tpu.memory_space<vmem>> -> memref<39x1x512xf32, #tpu.memory_space<vmem>>
        %swap3A_550 = arith.index_cast %swap3A_543 : i32 to index
        %swap3A_551 = arith.index_cast %swap3A_544 : i32 to index
        %swap3A_552 = arith.index_cast %mul3A_269 : i32 to index
        %swap3A_553 = tpu.vector_load %swap3A_549[%swap3A_550, %swap3A_551, %swap3A_552] {strides = array<i32>} : memref<39x1x512xf32, #tpu.memory_space<vmem>>, vector<1x1x16xf32>,
        %swap3A_554 = vector.shape_cast %swap3A_553 : vector<1x1x16xf32> to vector<16xf32>
        %swap3A_555 = vector.shape_cast %mul3A_542 : vector<16xf32> to vector<1x1x16xf32>
        tpu.vector_store %swap3A_549[%swap3A_550, %swap3A_551, %swap3A_552], %swap3A_555 {strides = array<i32>} : memref<39x1x512xf32, #tpu.memory_space<vmem>>, vector<1x1x16xf32>,
      }
      %scan3A_236 = arith.constant 32 : i32
      %scan3A_237 = arith.constant 0 : i32
      %scan3A_238 = arith.constant 1 : i32
      %scan3A_239 = arith.constant 0 : i32
      %scan3A_240 = arith.constant 26 : i32
      %scan3A_241 = arith.addi %scan3A_239, %scan3A_240 : i32
      %scan3A_242 = arith.constant 1 : i32
      scf.for %scan3A_267 = %scan3A_239 to %scan3A_241 step %scan3A_242  : i32 {
        %dma_wait3A_268 = arith.constant 0 : i32
        %dma_wait3A_269 = arith.constant 0 : i32
        %dma_wait3A_270 = arith.constant 13 : i32
        %dma_wait3A_271 = arith.constant 0 : i32
        %dma_wait3A_272 = arith.constant 0 : i32
        %dma_wait3A_273 = arith.constant 0 : i32
        %dma_wait3A_274 = arith.constant 0 : i32
        %dma_wait3A_275 = tpu.memref_slice %arg12[%scan3A_238, %dma_wait3A_272, %dma_wait3A_273, %dma_wait3A_274] : memref<2x39x1x512xf32, #tpu.memory_space<vmem>> -> memref<1x39x1x512xf32, #tpu.memory_space<vmem>>
        %dma_wait3A_276 = tpu.memref_squeeze %dma_wait3A_275 : memref<1x39x1x512xf32, #tpu.memory_space<vmem>> -> memref<39x1x512xf32, #tpu.memory_space<vmem>>
        %dma_wait3A_277 = arith.constant 0 : i32
        %dma_wait3A_278 = tpu.memref_slice %dma_wait3A_276[%dma_wait3A_270, %dma_wait3A_271, %dma_wait3A_277] : memref<39x1x512xf32, #tpu.memory_space<vmem>> -> memref<1x1x512xf32, #tpu.memory_space<vmem>>
        %dma_wait3A_279 = tpu.memref_squeeze %dma_wait3A_278 : memref<1x1x512xf32, #tpu.memory_space<vmem>> -> memref<512xf32, #tpu.memory_space<vmem>>
        %dma_wait3A_280 = arith.constant 0 : i32
        %dma_wait3A_281 = tpu.memref_slice %arg8[%dma_wait3A_268, %dma_wait3A_269, %dma_wait3A_280] : memref<26x1x512xi32, #tpu.memory_space<vmem>> -> memref<1x1x512xi32, #tpu.memory_space<vmem>>
        %dma_wait3A_282 = tpu.memref_squeeze %dma_wait3A_281 : memref<1x1x512xi32, #tpu.memory_space<vmem>> -> memref<512xi32, #tpu.memory_space<vmem>>
        %dma_wait3A_283 = arith.constant 0 : i32
        %dma_wait3A_284 = tpu.memref_slice %arg13[%scan3A_20, %dma_wait3A_283] : memref<1x1000064xf32, #tpu.memory_space<vmem_shared>> -> memref<1x1000064xf32, #tpu.memory_space<vmem_shared>>
        %dma_wait3A_285 = tpu.memref_squeeze %dma_wait3A_284 : memref<1x1000064xf32, #tpu.memory_space<vmem_shared>> -> memref<1000064xf32, #tpu.memory_space<vmem_shared>>
        %dma_wait3A_286 = arith.constant 0 : i32
        %dma_wait3A_287 = tpu.memref_slice %dma_wait3A_285[%dma_wait3A_286] : memref<1000064xf32, #tpu.memory_space<vmem_shared>> -> memref<1000064xf32, #tpu.memory_space<vmem_shared>>
        tpu.wait_indirect_dma semaphore(%arg16 : memref<!tpu.dma_semaphore, #tpu.memory_space<semaphore_mem>>) src(%dma_wait3A_287 : memref<1000064xf32, #tpu.memory_space<vmem_shared>>) dst(%dma_wait3A_279 : memref<512xf32, #tpu.memory_space<vmem>>)
      }
      %scan3A_243 = arith.constant 26 : i32
      %barrier3A_244 = arith.constant 0 : index
      tpu.barrier barrier_id(%barrier3A_244)
      %add3A_245 = arith.constant 1 : i32
      %add3A_246 = arith.addi %add3A_65, %add3A_245 : i32
      %lt3A_247 = arith.constant 32 : i32
      %lt3A_248 = arith.cmpi slt, %add3A_246, %lt3A_247 : i32
      %convert_element_type3A_249 = arith.extui %lt3A_248 : i1 to i32
      %cond3A_250 = arith.constant 0 : i32
      %cond3A_251 = arith.cmpi ne, %convert_element_type3A_249, %cond3A_250 : i32
      scf.if %cond3A_251 {
        %add3A_267 = arith.constant 1 : i32
        %add3A_268 = arith.addi %add3A_65, %add3A_267 : i32
        %min3A = arith.constant 31 : i32
        %min3A_269 = arith.minsi %add3A_268, %min3A : i32
        %mul3A_270 = arith.constant 83328 : i32
        %mul3A_271 = arith.muli %arg1, %mul3A_270 : i32
        %multiple_of3A_272 = tpu.assume_multiple %mul3A_271, 128 : i32
        %lt3A_273 = arith.constant 12 : i32
        %lt3A_274 = arith.cmpi slt, %arg1, %lt3A_273 : i32
        %convert_element_type3A_275 = arith.extui %lt3A_274 : i1 to i32
        %cond3A_276 = arith.constant 0 : i32
        %cond3A_277 = arith.cmpi ne, %convert_element_type3A_275, %cond3A_276 : i32
        scf.if %cond3A_277 {
          %dma_start3A_283 = arith.constant 0 : i32
          %dma_start3A_284 = tpu.memref_slice %arg13[%dma_start3A_283, %multiple_of3A_272] : memref<1x1000064xf32, #tpu.memory_space<vmem_shared>> -> memref<1x83328xf32, #tpu.memory_space<vmem_shared>>
          %dma_start3A_285 = tpu.memref_slice %arg4[%min3A_269, %multiple_of3A_272] : memref<32x1000000xf32, #tpu.memory_space<hbm>> -> memref<1x83328xf32, #tpu.memory_space<hbm>>
          tpu.enqueue_dma source(%dma_start3A_285 : memref<1x83328xf32, #tpu.memory_space<hbm>>) target(%dma_start3A_284 : memref<1x83328xf32, #tpu.memory_space<vmem_shared>>) target_semaphore(%arg14 : memref<!tpu.dma_semaphore, #tpu.memory_space<semaphore_mem>>)
        } else {
        }
        %eq3A_278 = arith.constant 12 : i32
        %eq3A_279 = arith.cmpi eq, %arg1, %eq3A_278 : i32
        %convert_element_type3A_280 = arith.extui %eq3A_279 : i1 to i32
        %cond3A_281 = arith.constant 0 : i32
        %cond3A_282 = arith.cmpi ne, %convert_element_type3A_280, %cond3A_281 : i32
        scf.if %cond3A_282 {
          %dma_start3A_283 = arith.constant 0 : i32
          %dma_start3A_284 = arith.constant 999936 : i32
          %dma_start3A_285 = tpu.memref_slice %arg13[%dma_start3A_283, %dma_start3A_284] : memref<1x1000064xf32, #tpu.memory_space<vmem_shared>> -> memref<1x128xf32, #tpu.memory_space<vmem_shared>>
          %dma_start3A_286 = arith.constant 0 : i32
          %dma_start3A_287 = tpu.memref_slice %arg5[%min3A_269, %dma_start3A_286] : memref<32x128xf32, #tpu.memory_space<hbm>> -> memref<1x128xf32, #tpu.memory_space<hbm>>
          tpu.enqueue_dma source(%dma_start3A_287 : memref<1x128xf32, #tpu.memory_space<hbm>>) target(%dma_start3A_285 : memref<1x128xf32, #tpu.memory_space<vmem_shared>>) target_semaphore(%arg14 : memref<!tpu.dma_semaphore, #tpu.memory_space<semaphore_mem>>)
        } else {
        }
      } else {
      }
      %dma_start3A_252 = arith.constant 1 : i32
      %dma_start3A_253 = arith.constant 0 : i32
      %dma_start3A_254 = arith.constant 0 : i32
      %dma_start3A_255 = arith.constant 0 : i32
      %dma_start3A_256 = tpu.memref_slice %arg12[%dma_start3A_252, %dma_start3A_253, %dma_start3A_254, %dma_start3A_255] : memref<2x39x1x512xf32, #tpu.memory_space<vmem>> -> memref<1x39x1x512xf32, #tpu.memory_space<vmem>>
      %dma_start3A_257 = tpu.memref_squeeze %dma_start3A_256 : memref<1x39x1x512xf32, #tpu.memory_space<vmem>> -> memref<39x1x512xf32, #tpu.memory_space<vmem>>
      %dma_start3A_258 = arith.constant 0 : i32
      %dma_start3A_259 = tpu.memref_slice %arg7[%dma_start3A_258, %add3A_65, %add3A] : memref<39x32x16384xf32, #tpu.memory_space<hbm>> -> memref<39x1x512xf32, #tpu.memory_space<hbm>>
      %dma_start3A_260 = arith.constant 0 : i32
      %dma_start3A_261 = tpu.memref_slice %arg7[%dma_start3A_260, %add3A_65, %add3A] : memref<39x32x16384xf32, #tpu.memory_space<hbm>> -> memref<39x1x512xf32, #tpu.memory_space<hbm>>
      %dma_start3A_262 = arith.constant 0 : i32
      %dma_start3A_263 = arith.constant 0 : i32
      %dma_start3A_264 = arith.constant 0 : i32
      %dma_start3A_265 = tpu.memref_slice %arg12[%dma_start3A_252, %dma_start3A_262, %dma_start3A_263, %dma_start3A_264] : memref<2x39x1x512xf32, #tpu.memory_space<vmem>> -> memref<1x39x1x512xf32, #tpu.memory_space<vmem>>
      %dma_start3A_266 = tpu.memref_squeeze %dma_start3A_265 : memref<1x39x1x512xf32, #tpu.memory_space<vmem>> -> memref<39x1x512xf32, #tpu.memory_space<vmem>>
      tpu.enqueue_dma source(%dma_start3A_266 : memref<39x1x512xf32, #tpu.memory_space<vmem>>) target(%dma_start3A_261 : memref<39x1x512xf32, #tpu.memory_space<hbm>>) target_semaphore(%arg18 : memref<!tpu.dma_semaphore, #tpu.memory_space<semaphore_mem>>)
    }
    %scan3A_25 = arith.constant 16 : i32
    %dma_wait3A = arith.constant 0 : i32
    %dma_wait3A_26 = arith.constant 0 : i32
    %dma_wait3A_27 = arith.constant 0 : i32
    %dma_wait3A_28 = arith.constant 0 : i32
    %dma_wait3A_29 = tpu.memref_slice %arg12[%dma_wait3A, %dma_wait3A_26, %dma_wait3A_27, %dma_wait3A_28] : memref<2x39x1x512xf32, #tpu.memory_space<vmem>> -> memref<1x39x1x512xf32, #tpu.memory_space<vmem>>
    %dma_wait3A_30 = tpu.memref_squeeze %dma_wait3A_29 : memref<1x39x1x512xf32, #tpu.memory_space<vmem>> -> memref<39x1x512xf32, #tpu.memory_space<vmem>>
    %dma_wait3A_31 = arith.constant 0 : i32
    %dma_wait3A_32 = arith.constant 0 : i32
    %dma_wait3A_33 = tpu.memref_slice %arg7[%dma_wait3A_31, %dma_wait3A_32, %add3A] : memref<39x32x16384xf32, #tpu.memory_space<hbm>> -> memref<39x1x512xf32, #tpu.memory_space<hbm>>
    %dma_wait3A_34 = arith.constant 0 : i32
    %dma_wait3A_35 = arith.constant 0 : i32
    %dma_wait3A_36 = tpu.memref_slice %arg7[%dma_wait3A_34, %dma_wait3A_35, %add3A] : memref<39x32x16384xf32, #tpu.memory_space<hbm>> -> memref<39x1x512xf32, #tpu.memory_space<hbm>>
    %dma_wait3A_37 = arith.constant 0 : i32
    %dma_wait3A_38 = arith.constant 0 : i32
    %dma_wait3A_39 = arith.constant 0 : i32
    %dma_wait3A_40 = tpu.memref_slice %arg12[%dma_wait3A, %dma_wait3A_37, %dma_wait3A_38, %dma_wait3A_39] : memref<2x39x1x512xf32, #tpu.memory_space<vmem>> -> memref<1x39x1x512xf32, #tpu.memory_space<vmem>>
    %dma_wait3A_41 = tpu.memref_squeeze %dma_wait3A_40 : memref<1x39x1x512xf32, #tpu.memory_space<vmem>> -> memref<39x1x512xf32, #tpu.memory_space<vmem>>
    tpu.wait_dma2 semaphore(%arg17 : memref<!tpu.dma_semaphore, #tpu.memory_space<semaphore_mem>>) src(%dma_wait3A_41 : memref<39x1x512xf32, #tpu.memory_space<vmem>>) dst(%dma_wait3A_36 : memref<39x1x512xf32, #tpu.memory_space<hbm>>)
    %dma_wait3A_42 = arith.constant 1 : i32
    %dma_wait3A_43 = arith.constant 0 : i32
    %dma_wait3A_44 = arith.constant 0 : i32
    %dma_wait3A_45 = arith.constant 0 : i32
    %dma_wait3A_46 = tpu.memref_slice %arg12[%dma_wait3A_42, %dma_wait3A_43, %dma_wait3A_44, %dma_wait3A_45] : memref<2x39x1x512xf32, #tpu.memory_space<vmem>> -> memref<1x39x1x512xf32, #tpu.memory_space<vmem>>
    %dma_wait3A_47 = tpu.memref_squeeze %dma_wait3A_46 : memref<1x39x1x512xf32, #tpu.memory_space<vmem>> -> memref<39x1x512xf32, #tpu.memory_space<vmem>>
    %dma_wait3A_48 = arith.constant 0 : i32
    %dma_wait3A_49 = arith.constant 0 : i32
    %dma_wait3A_50 = tpu.memref_slice %arg7[%dma_wait3A_48, %dma_wait3A_49, %add3A] : memref<39x32x16384xf32, #tpu.memory_space<hbm>> -> memref<39x1x512xf32, #tpu.memory_space<hbm>>
    %dma_wait3A_51 = arith.constant 0 : i32
    %dma_wait3A_52 = arith.constant 0 : i32
    %dma_wait3A_53 = tpu.memref_slice %arg7[%dma_wait3A_51, %dma_wait3A_52, %add3A] : memref<39x32x16384xf32, #tpu.memory_space<hbm>> -> memref<39x1x512xf32, #tpu.memory_space<hbm>>
    %dma_wait3A_54 = arith.constant 0 : i32
    %dma_wait3A_55 = arith.constant 0 : i32
    %dma_wait3A_56 = arith.constant 0 : i32
    %dma_wait3A_57 = tpu.memref_slice %arg12[%dma_wait3A_42, %dma_wait3A_54, %dma_wait3A_55, %dma_wait3A_56] : memref<2x39x1x512xf32, #tpu.memory_space<vmem>> -> memref<1x39x1x512xf32, #tpu.memory_space<vmem>>
    %dma_wait3A_58 = tpu.memref_squeeze %dma_wait3A_57 : memref<1x39x1x512xf32, #tpu.memory_space<vmem>> -> memref<39x1x512xf32, #tpu.memory_space<vmem>>
    tpu.wait_dma2 semaphore(%arg18 : memref<!tpu.dma_semaphore, #tpu.memory_space<semaphore_mem>>) src(%dma_wait3A_58 : memref<39x1x512xf32, #tpu.memory_space<vmem>>) dst(%dma_wait3A_53 : memref<39x1x512xf32, #tpu.memory_space<hbm>>)
    return
  }
}

</mosaic_0001>

<sc_bundles>
// kernel: kernel.3.cloned.1.call-start
scs
__scs_entry_jumppad:
0x0: {  	(pc) =	sbr.rel $0x88, $3  }
0x1: {  	(tag) =	ssettag $0x0;
	lr =	simm.s32 $0x1  }
0x2: {  	[smem:$0x3F9D] =	sst lr;
	_ =	strace $0xD0000000  }
0x3: {  	_ = 	snop  }
0x4: {  	_ = 	snop  }
0x5: {  	_ = 	snop  }
0x6: {  	_ = 	snop  }
0x7: {  	_ = 	snop  }
__scs_overlays_trampoline_lowered:
0x8: {  	[smem:$0x3FAC] =	sst s0  }
0x9: {  	[smem:$0x3FAD] =	sst s1  }
0xa: {  	[smem:$0x3FAE] =	sst s2  }
0xb: {  	[smem:$0x3FAF] =	sst s3  }
0xc: {  	[smem:$0x3FB0] =	sst s4  }
0xd: {  	[smem:$0x3FB1] =	sst s5  }
0xe: {  	[smem:$0x3FB2] =	sst s6  }
0xf: {  	[smem:$0x3FB3] =	sst s7  }
0x10: {  	[smem:$0x3FB4] =	sst s8  }
0x11: {  	[smem:$0x3FB5] =	sst s9;
	s0 =	simm.s32 @!p0 $0x0  }
0x12: {  	s1 =	sld [smem:$0x3F9B];
	s0 =	simm.s32 @p0 $0x1  }
0x13: {  	[smem:$0x3FB6] =	sst s0;
	s0 =	simm.s32 @!p1 $0x0  }
0x14: {  	s2 =	sld [smem:$0x3F9A];
	s0 =	simm.s32 @p1 $0x1  }
0x15: {  	[smem:$0x3FB7] =	sst s0;
	s0 =	simm.s32 @!p2 $0x0  }
0x16: {  	s3 =	sld [smem:$0x3FDB];
	s0 =	simm.s32 @p2 $0x1  }
0x17: {  	s4 =	simm.s32 $0x1BF5;
	[smem:$0x3FB9] =	sst s0  }
0x18: {  	s0 =	sld [smem:$0x3F9C];
	_ =	swait.ge [sflag:s4], $0x0  }
0x19: {  	s7 =	sld [smem:$0x3F9D]  }
0x1a: {  	s8 =	sadd.s32 $0xFFFFE003, lr  }
0x1b: {  	s9 =	sadd.s32 $0xFFFFFEF7, lr;
	s5 =	simm.s32 $0xFFFFFFFF;
	p2 =	slt.u32 s8, $0xFFFFF086  }
0x1c: {  	p1 =	slt.u32 s9, $0xF7A;
	s5 =	simm.s32 @!p2 $0x0  }
0x1d: {  	s5 =	simm.s32 @p1 $0x1;
	p0 =	seq.s32 s7, s2  }
0x1e: {  	s7 =	smul.u32 @!p0 $0xF7A, s2;
	p2 =	seq.s32 @!p0 s5, $0x0  }
0x1f: {  	s9 =	smul.u32 $0xF7A, s1;
	s8 =	simm.s32 @!p0 $0x1BF5;
	p2 =	por !p2, p0  }
0x20: {  	[sflag:s8] =	ssyncset.s32 @!p0 $0xFFFFF086;
	s6 =	sadd.s32 @!p0 s3, s7;
	s7 =	simm.s32 @!p0 $0x108  }
0x21: {  	s3 =	sadd.s32 s3, s9;
	s6 =	sadd.s32 @!p0 $0x88, s6;
	s7 =	simm.s32 @p2 $0x1082  }
0x22: {  	[simem:s7], [sflag:s8] =	dma.local @!p0 [hbm:s6], $0xF7A  }
0x23: {  	s9 =	sor.u32 $0xD0000000, s2;
	s6 =	simm.s32 $0x108;
	_ =	swait.ge @!p0 [sflag:s8], $0x0  }
0x24: {  	s3 =	sadd.s32 $0x88, s3;
	s6 =	simm.s32 @!p1 $0x1082;
	[sflag:s4] =	ssyncset.s32 $0xFFFFF086  }
0x25: {  	[simem:s6], [sflag:s4] =	dma.local [hbm:s3], $0xF7A  }
0x26: {  	[smem:$0x3F9D] =	sst s1;
	(tag) =	ssettag s2;
	_ =	strace s9  }
0x27: {  	s1 =	sld [smem:$0x3FAD]  }
0x28: {  	s2 =	sld [smem:$0x3FAE]  }
0x29: {  	s4 =	sld [smem:$0x3FB0]  }
0x2a: {  	p0 =	seq.s32 s5, $0x0;
	s5 =	sld [smem:$0x3FB1]  }
0x2b: {  	s6 =	sld [smem:$0x3FB2]  }
0x2c: {  	s7 =	sld [smem:$0x3FB3]  }
0x2d: {  	s3 =	simm.s32 $0x108;
	s8 =	sld [smem:$0x3FB4]  }
0x2e: {  	s3 =	simm.s32 @!p0 $0x1082;
	s9 =	sld [smem:$0x3FB5]  }
0x2f: {  	lr =	sadd.s32 s0, s3;
	s0 =	sld [smem:$0x3FAC]  }
0x30: {  	s3 =	sld [smem:$0x3FAF]  }
0x31: {  	[smem:$0x3FB8] =	sst s10  }
0x32: {  	s10 =	sld [smem:$0x3FB6];
	_ =	sdelay $0x3  }
0x33: {  	p0 =	seq.s32 s10, $0x1;
	s10 =	sld [smem:$0x3FB8];
	_ =	sdelay $0x3  }
0x34: {  	[smem:$0x3FB8] =	sst s10  }
0x35: {  	s10 =	sld [smem:$0x3FB7];
	_ =	sdelay $0x3  }
0x36: {  	p1 =	seq.s32 s10, $0x1;
	s10 =	sld [smem:$0x3FB8];
	_ =	sdelay $0x3  }
0x37: {  	[smem:$0x3FB8] =	sst s10  }
0x38: {  	s10 =	sld [smem:$0x3FB9]  }
0x39: {  	_ = 	snop;
	(pc) =	sbr.ind lr, $3  }
0x3a: {  	_ = 	snop  }
0x3b: {  	_ = 	snop  }
0x3c: {  	p2 =	seq.s32 s10, $0x1;
	s10 =	sld [smem:$0x3FB8]  }
0x3d: {  	_ =	shalt  }
0x3e: {  	_ =	shalt  }
0x3f: {  	_ =	shalt  }
0x40: {  	_ =	shalt  }
0x41: {  	_ =	shalt  }
0x42: {  	_ =	shalt  }
0x43: {  	_ =	shalt  }
0x44: {  	_ =	shalt  }
0x45: {  	_ =	shalt  }
0x46: {  	_ =	shalt  }
0x47: {  	_ =	shalt  }
0x48: {  	_ =	shalt  }
0x49: {  	_ =	shalt  }
0x4a: {  	_ =	shalt  }
0x4b: {  	_ =	shalt  }
0x4c: {  	_ =	shalt  }
0x4d: {  	_ =	shalt  }
0x4e: {  	_ =	shalt  }
0x4f: {  	_ =	shalt  }
0x50: {  	_ =	shalt  }
0x51: {  	_ =	shalt  }
0x52: {  	_ =	shalt  }
0x53: {  	_ =	shalt  }
0x54: {  	_ =	shalt  }
0x55: {  	_ =	shalt  }
0x56: {  	_ =	shalt  }
0x57: {  	_ =	shalt  }
0x58: {  	_ =	shalt  }
0x59: {  	_ =	shalt  }
0x5a: {  	_ =	shalt  }
0x5b: {  	_ =	shalt  }
0x5c: {  	_ =	shalt  }
0x5d: {  	_ =	shalt  }
0x5e: {  	_ =	shalt  }
0x5f: {  	_ =	shalt  }
0x60: {  	_ =	shalt  }
0x61: {  	_ =	shalt  }
0x62: {  	_ =	shalt  }
0x63: {  	_ =	shalt  }
0x64: {  	_ =	shalt  }
0x65: {  	_ =	shalt  }
0x66: {  	_ =	shalt  }
0x67: {  	_ =	shalt  }
0x68: {  	_ =	shalt  }
0x69: {  	_ =	shalt  }
0x6a: {  	_ =	shalt  }
0x6b: {  	_ =	shalt  }
0x6c: {  	_ =	shalt  }
0x6d: {  	_ =	shalt  }
0x6e: {  	_ =	shalt  }
0x6f: {  	_ =	shalt  }
0x70: {  	_ =	shalt  }
0x71: {  	_ =	shalt  }
0x72: {  	_ =	shalt  }
0x73: {  	_ =	shalt  }
0x74: {  	_ =	shalt  }
0x75: {  	_ =	shalt  }
0x76: {  	_ =	shalt  }
0x77: {  	_ =	shalt  }
0x78: {  	_ =	shalt  }
0x79: {  	_ =	shalt  }
0x7a: {  	_ =	shalt  }
0x7b: {  	_ =	shalt  }
0x7c: {  	_ =	shalt  }
0x7d: {  	_ =	shalt  }
0x7e: {  	_ =	shalt  }
0x7f: {  	_ =	shalt  }
0x80: {  	_ =	shalt  }
0x81: {  	_ =	shalt  }
0x82: {  	_ =	shalt  }
0x83: {  	_ =	shalt  }
0x84: {  	_ =	shalt  }
0x85: {  	_ =	shalt  }
0x86: {  	_ =	shalt  }
0x87: {  	_ =	shalt  }
.Lfunc_end0:
.L_simem_size_0:
called_computation_lowered:
.L_overlay_start_0:
0x88: {  	s2 =	sld [smem:$0x3FD9]  }
0x89: {  	s3 =	sld [smem:$0x3FFE];
	_ =	sdelay $0x1  }
0x8a: {  	s1 =	srdreg.scid  }
0x8b: {  	s0 =	sand.u32 $0x1, s1  }
0x8c: {  	s17 =	sshll.u32 s0, $0xA;
	s2 =	sadd.s32 s3, s2  }
0x8d: {  	s2 =	sadd.s32 s2, s17  }
0x8e: {  	[smem:$0x3FC4] =	sst s2  }
0x8f: {  	_ = 	snop  }
0x90: {  	s2 =	sld [smem:$0x3FC9]  }
0x91: {  	s18 =	sld [smem:$0x3FC8]  }
0x92: {  	s4 =	sld [smem:$0x3FC7]  }
0x93: {  	s5 =	sld [smem:$0x3FC6]  }
0x94: {  	s6 =	sld [smem:$0x3FD0];
	(tm) =	ssettm $0x1  }
0x95: {  	s7 =	sld [smem:$0x3FFB];
	_ =	sdelay $0x3  }
0x96: {  	_ =	strace s7  }
0x97: {  	s7 =	sld [smem:$0x3FFC];
	_ =	sdelay $0x3  }
0x98: {  	_ =	strace s7  }
0x99: {  	s7 =	sld [smem:$0x3FFD];
	_ =	sdelay $0x3  }
0x9a: {  	_ =	strace s7  }
0x9b: {  	_ =	strace $0x8FFFFFFF  }
0x9c: {  	s19 =	sld [smem:$0x3FDB];
	_ =	sdelay $0x1  }
0x9d: {  	s8 =	simm.s32 $_scs_section_size  }
0x9e: {  	s9 =	simm.s32 $_size__tile_overlayer_lowered;
	s10 =	simm.s32 $_tile_overlayer_lowered  }
0x9f: {  	s22 =	simm.s32 $0x1BFF;
	s21 =	sshll.u32 s10, $0x1;
	s7 =	sadd.s32 s8, s19  }
0xa0: {  	s11 =	simm.s32 $0x0;
	s20 =	sshll.u32 s9, $0x1;
	s9 =	sadd.s32 s21, s7  }
0xa1: {  	[timem:s11], [sflag:s22] =	dma.local [hbm:s9], s20  }
0xa2: {  	_ =	swait.ge [sflag:s22], s20  }
0xa3: {  	s8 =	ssub.s32 $0x0, s20;
	[sflag:s22] =	ssyncset.done $0x0  }
0xa4: {  	[sflag:s22] =	ssyncadd.s32 s8;
	_ =	sdelay $0x1  }
0xa5: {  	s23 =	simm.s32 $0x1B8B  }
0xa6: {  	_ =	swait.ge [sflag:s23], $0x1  }
0xa7: {  	[sflag:s23] =	ssyncset.done $0x0  }
0xa8: {  	s25 =	simm.s32 $0x1B8E;
	s24 =	sld [smem:$0x3FFE];
	[sflag:s23] =	ssyncadd.s32 $0xFFFFFFFF  }
0xa9: {  	s26 =	simm.s32 $execute0_lowered;
	[smem:$0x3FD2] =	sst s25  }
0xaa: {  	s9 =	sshll.u32 s26, $0x1;
	_ =	strace $0x80000046;
	[dreg:$0x1] =	wrdreg $0xFFFFFFFF  }
0xab: {  	s28 =	simm.s32 $_size_execute0_lowered;
	s7 =	sadd.s32 s7, s9;
	[dreg:$0x0] =	wrdreg $0x0  }
0xac: {  	s9 =	sshll.u32 s28, $0x1;
	[dreg:$0x2] =	wrdreg s7  }
0xad: {  	[dreg:$0x3] =	wrdreg s9  }
0xae: {  	[dreg:$0x4] =	wrdreg $0xC0  }
0xaf: {  	_ =	task [dreg:s11], $0x5FFFF  }
0xb0: {  	[dreg:$0x1] =	wrdreg $0xFFFFFFFF  }
0xb1: {  	[dreg:$0x0] =	wrdreg $0x60  }
0xb2: {  	[dreg:$0x2] =	wrdreg s2  }
0xb3: {  	[dreg:$0x3] =	wrdreg s18  }
0xb4: {  	[dreg:$0x4] =	wrdreg s4  }
0xb5: {  	[dreg:$0x5] =	wrdreg s24  }
0xb6: {  	[dreg:$0x6] =	wrdreg s5  }
0xb7: {  	[dreg:$0x7] =	wrdreg s6  }
0xb8: {  	[dreg:$0x8] =	wrdreg $0xEB000  }
0xb9: {  	[dreg:$0x9] =	wrdreg $0x9  }
0xba: {  	_ =	task.clear_ibuf [dreg:s11], $0xAFFFF;
	_ =	strace $0x90000046  }
0xbb: {  	s29 =	simm.s32 $0x9;
	_ =	strace $0x80000048  }
0xbc: {  	_ =	swait.ge [sflag:s29], $0x1  }
0xbd: {  	[sflag:s29] =	ssyncadd.s32 $0xFFFFFFFF  }
0xbe: {  	_ =	strace $0x90000048  }
0xbf: {  	_ =	sfence  }
0xc0: {  	s30 =	sld [smem:$0x0];
	_ =	sdelay $0x2  }
0xc1: {  	s31 =	sshll.u32 s1, $0xD;
	s1 =	sshrl.u32 s1, $0x2  }
0xc2: {  	s3 =	sand.u32 $0x4000, s31;
	s1 =	sadd.s32 s1, s30  }
0xc3: {  	s0 =	sor.u32 s3, s0;
	s1 =	sshll.u32 s1, $0x11  }
0xc4: {  	s0 =	sor.u32 s1, s0  }
0xc5: {  	s0 =	sadd.s32 $0x8F2B, s0  }
0xc6: {  	[sflag:s0] =	ssyncadd.remote.s32 $0x1  }
0xc7: {  	_ =	sfence.sel $0xFFFF  }
0xc8: {  	[dreg:$0x0] =	wrdreg $0xFFFFFFFF;
	(pc) =	sbr.abs _section_cstart, $3  }
0xc9: {  	[dreg:$0x1] =	wrdreg $0xFFFFFFFF  }
0xca: {  	_ =	task.clear_ibuf [dreg:s11], $0x2FFFF;
	_ =	strace $0x9FFFFFFF  }
0xcb: {  	(tm) =	ssettm $0x7FFFFFFF  }
tec
execute0_lowered:
.L_overlay_start_1:
0x0: {  	(tag) =	ssettag $0x1  }
0x1: {  	s0 =	rddreg [dreg:$0x0]  }
0x2: {  	s1 =	rddreg [dreg:$0x1]  }
0x3: {  	s12 =	rddreg [dreg:$0x2]  }
0x4: {  	s2 =	rddreg [dreg:$0x3]  }
0x5: {  	s5 =	rddreg [dreg:$0x6];
	s3 =	srdreg.scid  }
0x6: {  	s6 =	simm.s32 $0x0;
	s4 =	stileid.u32;
	s3 =	sand.u32 $0x1, s3  }
0x7: {  	[smem:$0x7FF] =	sst s6;
	s7 =	sshll.u32 s4, $0xC;
	s10 =	smul.u32 $0x14580, s4  }
0x8: {  	s15 =	sshll.u32 s3, $0x10;
	_ =	strace $0x80000047;
	s3 =	ssub.s32 $0x2, s3  }
0x9: {  	s7 =	sor.u32 s7, s15;
	s16 =	sshrl.u32 s3, $0x1;
	s18 =	sadd.s32 s10, s5  }
0xa: {  	s19 =	sadd.s32 s12, s10;
	s9 =	sshrl.u32 s7, $0x3;
	[dreg:$0xa] =	wrdreg s18  }
0xb: {  	s17 =	ssub.s32 s3, s16;
	[dreg:$0xb] =	wrdreg s19;
	s0 =	sadd.s32 s0, s9  }
0xc: {  	s20 =	smax.u32 s17, $0x1;
	[dreg:$0x9] =	wrdreg s0  }
0xd: {  	s1 =	sadd.s32 s1, s9;
	[dreg:$0xc] =	wrdreg s20  }
0xe: {  	s21 =	sadd.s32 $0x10, s1;
	[dreg:$0x8] =	wrdreg s1  }
0xf: {  	s22 =	sadd.s32 $0x20, s1;
	[dreg:$0xd] =	wrdreg s21  }
0x10: {  	s23 =	sadd.s32 $0x30, s1;
	[dreg:$0xe] =	wrdreg s22  }
0x11: {  	s24 =	sadd.s32 $0x40, s1;
	[dreg:$0xf] =	wrdreg s23  }
0x12: {  	s25 =	sadd.s32 $0x50, s1;
	[dreg:$0x10] =	wrdreg s24  }
0x13: {  	s26 =	sadd.s32 $0x60, s1;
	[dreg:$0x11] =	wrdreg s25  }
0x14: {  	s8 =	sadd.s32 $0x400, s2;
	s2 =	sadd.s32 $0x70, s1;
	[dreg:$0x12] =	wrdreg s26  }
0x15: {  	s3 =	sadd.s32 $0x4000, s1;
	[dreg:$0x13] =	wrdreg s2  }
0x16: {  	s6 =	sadd.s32 $0x4010, s1;
	[dreg:$0x14] =	wrdreg s3  }
0x17: {  	s28 =	simm.s32 $0x10;
	s9 =	sadd.s32 $0x4020, s1;
	[dreg:$0x15] =	wrdreg s6  }
0x18: {  	s29 =	simm.s32 $0x4E80;
	s10 =	sadd.s32 $0x4030, s1;
	[dreg:$0x16] =	wrdreg s9  }
0x19: {  	s30 =	simm.s32 $0x2;
	s12 =	sadd.s32 $0x4040, s1;
	[dreg:$0x17] =	wrdreg s10  }
0x1a: {  	s31 =	simm.s32 $0x3;
	s13 =	sadd.s32 $0x4050, s1;
	[dreg:$0x18] =	wrdreg s12  }
0x1b: {  	s11 =	sadd.s32 $0xF4200, s5;
	s15 =	sadd.s32 $0x4060, s1;
	[dreg:$0x19] =	wrdreg s13  }
0x1c: {  	s14 =	smul.u32 $0xA2C00, s4;
	s16 =	sadd.s32 $0x4070, s1;
	[dreg:$0x1a] =	wrdreg s15  }
0x1d: {  	p0 =	sgt.u32 s4, $0xB;
	s17 =	sadd.s32 $0x8000, s1;
	[dreg:$0x1b] =	wrdreg s16  }
0x1e: {  	p2 =	sne.s32 @p0 s4, $0xC;
	s18 =	sadd.s32 $0x8010, s1;
	[dreg:$0x1c] =	wrdreg s17  }
0x1f: {  	p1 =	por p2, !p0;
	s19 =	sadd.s32 $0x8020, s1;
	[dreg:$0x1d] =	wrdreg s18  }
0x20: {  	p2 =	por !p2, !p0;
	s20 =	sadd.s32 $0x8030, s1;
	[dreg:$0x1e] =	wrdreg s19  }
0x21: {  	[dreg:$0x1f] =	wrdreg s20;
	s21 =	sadd.s32 $0x8040, s1;
	s22 =	sadd.s32 $0x8050, s1  }
0x22: {  	s23 =	sadd.s32 $0x8060, s1;
	s24 =	sadd.s32 $0x8070, s1;
	[smem:$0x7F8] =	sst s21  }
0x23: {  	s25 =	sadd.s32 $0xC000, s1;
	s26 =	sadd.s32 $0xC010, s1;
	[smem:$0x7F9] =	sst s22  }
0x24: {  	s9 =	simm.s32 $0x600;
	s10 =	simm.s32 $0x800;
	[smem:$0x7FA] =	sst s23  }
0x25: {  	s1 =	simm.s32 $0x2C00;
	s3 =	simm.s32 $0x2E00;
	[smem:$0x7FB] =	sst s24  }
0x26: {  	s12 =	simm.s32 $0x3000;
	s6 =	simm.s32 $0x0;
	[smem:$0x7FC] =	sst s25  }
0x27: {  	[smem:$0x7FD] =	sst s26;
	s22 =	simm.s32 $0x80;
	s23 =	simm.s32 $0x400  }
0x28: {  	vm0 =	vmmov $0x1fff;
	s24 =	simm.s32 $0x200;
	s25 =	simm.s32 $0x3200;
	s26 =	simm.s32 $0x4E00  }
.LBB2_1:
0x29: {  	[smem:$0x7F7] =	sst s6  }
0x2a: {  	s0 =	rddreg [dreg:$0x8]  }
0x2b: {  	s2 =	simm.s32 $0x0;
	s16 =	rddreg [dreg:$0xd]  }
0x2c: {  	[tilespmem:s2], [sflag:$0x6] =	stream.strided.gather [hbm4b:s0+s22], $0x200, s23, s22, $0x38;
	[tilespmem:$0x1DF28] =	vst v63  }
0x2d: {  	s17 =	rddreg [dreg:$0xe]  }
0x2e: {  	[tilespmem:s24], [sflag:$0x6] =	stream.strided.gather [hbm4b:s16+s22], $0x200, s23, s22, $0x38;
	[tilespmem:$0x1DF28] =	vst v63  }
0x2f: {  	s18 =	rddreg [dreg:$0xf]  }
0x30: {  	[tilespmem:s23], [sflag:$0x6] =	stream.strided.gather [hbm4b:s17+s22], $0x200, s23, s22, $0x38;
	[tilespmem:$0x1DF28] =	vst v63  }
0x31: {  	s19 =	rddreg [dreg:$0x10]  }
0x32: {  	[tilespmem:s9], [sflag:$0x6] =	stream.strided.gather [hbm4b:s18+s22], $0x200, s23, s22, $0x38;
	[tilespmem:$0x1DF28] =	vst v63  }
0x33: {  	s20 =	rddreg [dreg:$0x11]  }
0x34: {  	[tilespmem:s10], [sflag:$0x6] =	stream.strided.gather [hbm4b:s19+s22], $0x200, s23, s22, $0x38;
	[tilespmem:$0x1DF28] =	vst v63  }
0x35: {  	s21 =	simm.s32 $0xA00;
	s13 =	rddreg [dreg:$0x12]  }
0x36: {  	[tilespmem:s21], [sflag:$0x6] =	stream.strided.gather [hbm4b:s20+s22], $0x200, s23, s22, $0x38;
	[tilespmem:$0x1DF28] =	vst v63  }
0x37: {  	s15 =	simm.s32 $0xC00;
	s6 =	rddreg [dreg:$0x1e]  }
0x38: {  	[tilespmem:s15], [sflag:$0x6] =	stream.strided.gather [hbm4b:s13+s22], $0x200, s23, s22, $0x38;
	[tilespmem:$0x1DF28] =	vst v63  }
0x39: {  	s16 =	rddreg [dreg:$0x13];
	s17 =	simm.s32 $0xE00  }
0x3a: {  	[tilespmem:s17], [sflag:$0x6] =	stream.strided.gather [hbm4b:s16+s22], $0x200, s23, s22, $0x38;
	[tilespmem:$0x1DF28] =	vst v63  }
0x3b: {  	s18 =	rddreg [dreg:$0x14];
	s19 =	simm.s32 $0x1000  }
0x3c: {  	[tilespmem:s19], [sflag:$0x6] =	stream.strided.gather [hbm4b:s18+s22], $0x200, s23, s22, $0x38;
	[tilespmem:$0x1DF28] =	vst v63  }
0x3d: {  	s20 =	rddreg [dreg:$0x15];
	s21 =	simm.s32 $0x1200  }
0x3e: {  	[tilespmem:s21], [sflag:$0x6] =	stream.strided.gather [hbm4b:s20+s22], $0x200, s23, s22, $0x38;
	[tilespmem:$0x1DF28] =	vst v63  }
0x3f: {  	s13 =	rddreg [dreg:$0x16];
	s15 =	simm.s32 $0x1400  }
0x40: {  	[tilespmem:s15], [sflag:$0x6] =	stream.strided.gather [hbm4b:s13+s22], $0x200, s23, s22, $0x38;
	[tilespmem:$0x1DF28] =	vst v63  }
0x41: {  	s16 =	rddreg [dreg:$0x17];
	s17 =	simm.s32 $0x1600  }
0x42: {  	[tilespmem:s17], [sflag:$0x6] =	stream.strided.gather [hbm4b:s16+s22], $0x200, s23, s22, $0x38;
	[tilespmem:$0x1DF28] =	vst v63  }
0x43: {  	s18 =	rddreg [dreg:$0x18];
	s19 =	simm.s32 $0x1800  }
0x44: {  	[tilespmem:s19], [sflag:$0x6] =	stream.strided.gather [hbm4b:s18+s22], $0x200, s23, s22, $0x38;
	[tilespmem:$0x1DF28] =	vst v63  }
0x45: {  	s20 =	rddreg [dreg:$0x19];
	s21 =	simm.s32 $0x1A00  }
0x46: {  	[tilespmem:s21], [sflag:$0x6] =	stream.strided.gather [hbm4b:s20+s22], $0x200, s23, s22, $0x38;
	[tilespmem:$0x1DF28] =	vst v63  }
0x47: {  	s13 =	rddreg [dreg:$0x1a];
	s15 =	simm.s32 $0x1C00  }
0x48: {  	[tilespmem:s15], [sflag:$0x6] =	stream.strided.gather [hbm4b:s13+s22], $0x200, s23, s22, $0x38;
	[tilespmem:$0x1DF28] =	vst v63  }
0x49: {  	s16 =	rddreg [dreg:$0x1b];
	s17 =	simm.s32 $0x1E00  }
0x4a: {  	[tilespmem:s17], [sflag:$0x6] =	stream.strided.gather [hbm4b:s16+s22], $0x200, s23, s22, $0x38;
	[tilespmem:$0x1DF28] =	vst v63  }
0x4b: {  	s18 =	rddreg [dreg:$0x1c];
	s19 =	simm.s32 $0x2000  }
0x4c: {  	[tilespmem:s19], [sflag:$0x6] =	stream.strided.gather [hbm4b:s18+s22], $0x200, s23, s22, $0x38;
	[tilespmem:$0x1DF28] =	vst v63  }
0x4d: {  	s20 =	rddreg [dreg:$0x1d];
	s21 =	simm.s32 $0x2200  }
0x4e: {  	[tilespmem:s21], [sflag:$0x6] =	stream.strided.gather [hbm4b:s20+s22], $0x200, s23, s22, $0x38;
	[tilespmem:$0x1DF28] =	vst v63  }
0x4f: {  	s13 =	simm.s32 $0x2400;
	s15 =	rddreg [dreg:$0x1f]  }
0x50: {  	[tilespmem:s13], [sflag:$0x6] =	stream.strided.gather [hbm4b:s6+s22], $0x200, s23, s22, $0x38;
	[tilespmem:$0x1DF28] =	vst v63  }
0x51: {  	s16 =	simm.s32 $0x2600;
	s17 =	sld [smem:$0x7F8]  }
0x52: {  	[tilespmem:s16], [sflag:$0x6] =	stream.strided.gather [hbm4b:s15+s22], $0x200, s23, s22, $0x38;
	[tilespmem:$0x1DF28] =	vst v63  }
0x53: {  	s18 =	simm.s32 $0x2800;
	s19 =	sld [smem:$0x7F9]  }
0x54: {  	[tilespmem:s18], [sflag:$0x6] =	stream.strided.gather [hbm4b:s17+s22], $0x200, s23, s22, $0x38;
	[tilespmem:$0x1DF28] =	vst v63  }
0x55: {  	s20 =	simm.s32 $0x2A00;
	s21 =	sld [smem:$0x7FA]  }
0x56: {  	[tilespmem:s20], [sflag:$0x6] =	stream.strided.gather [hbm4b:s19+s22], $0x200, s23, s22, $0x38;
	[tilespmem:$0x1DF28] =	vst v63  }
0x57: {  	s6 =	sld [smem:$0x7FB]  }
0x58: {  	[tilespmem:s1], [sflag:$0x6] =	stream.strided.gather [hbm4b:s21+s22], $0x200, s23, s22, $0x38;
	[tilespmem:$0x1DF28] =	vst v63  }
0x59: {  	s13 =	sld [smem:$0x7FC]  }
0x5a: {  	[tilespmem:s3], [sflag:$0x6] =	stream.strided.gather [hbm4b:s6+s22], $0x200, s23, s22, $0x38;
	[tilespmem:$0x1DF28] =	vst v63  }
0x5b: {  	s15 =	sld [smem:$0x7FD]  }
0x5c: {  	[tilespmem:s12], [sflag:$0x6] =	stream.strided.gather [hbm4b:s13+s22], $0x200, s23, s22, $0x38;
	[tilespmem:$0x1DF28] =	vst v63  }
0x5d: {  	s13 =	simm.s32 $0x6  }
0x5e: {  	[tilespmem:s25], [sflag:$0x6] =	stream.strided.gather [hbm4b:s15+s22], $0x200, s23, s22, $0x38;
	[tilespmem:$0x1DF28] =	vst v63  }
0x5f: {  	_ =	swait.ge [sflag:s13], $0x3400  }
0x60: {  	[sflag:s13] =	ssyncset.done $0x0  }
0x61: {  	s16 =	simm.s32 $0x3400;
	s6 =	rddreg [dreg:$0x9];
	[sflag:s13] =	ssyncadd.s32 $0xFFFFCC00  }
0x62: {  	[tilespmem:s16], [sflag:$0x6] =	stream.strided.gather [hbm4b:s6+s22], $0x200, s23, s22, $0x38;
	[tilespmem:$0x1DF28] =	vst v63  }
0x63: {  	s15 =	simm.s32 $0x3600;
	s17 =	sadd.s32 $0x10, s6  }
0x64: {  	[tilespmem:s15], [sflag:$0x6] =	stream.strided.gather [hbm4b:s17+s22], $0x200, s23, s22, $0x38;
	[tilespmem:$0x1DF28] =	vst v63  }
0x65: {  	s19 =	simm.s32 $0x3800;
	s18 =	sadd.s32 $0x20, s6  }
0x66: {  	[tilespmem:s19], [sflag:$0x6] =	stream.strided.gather [hbm4b:s18+s22], $0x200, s23, s22, $0x38;
	[tilespmem:$0x1DF28] =	vst v63  }
0x67: {  	s21 =	simm.s32 $0x3A00;
	s20 =	sadd.s32 $0x30, s6  }
0x68: {  	[tilespmem:s21], [sflag:$0x6] =	stream.strided.gather [hbm4b:s20+s22], $0x200, s23, s22, $0x38;
	[tilespmem:$0x1DF28] =	vst v63  }
0x69: {  	s16 =	sadd.s32 $0x40, s6;
	s17 =	simm.s32 $0x3C00  }
0x6a: {  	[tilespmem:s17], [sflag:$0x6] =	stream.strided.gather [hbm4b:s16+s22], $0x200, s23, s22, $0x38;
	[tilespmem:$0x1DF28] =	vst v63  }
0x6b: {  	s18 =	sadd.s32 $0x50, s6;
	s19 =	simm.s32 $0x3E00  }
0x6c: {  	[tilespmem:s19], [sflag:$0x6] =	stream.strided.gather [hbm4b:s18+s22], $0x200, s23, s22, $0x38;
	[tilespmem:$0x1DF28] =	vst v63  }
0x6d: {  	s20 =	sadd.s32 $0x60, s6;
	s21 =	simm.s32 $0x4000  }
0x6e: {  	[tilespmem:s21], [sflag:$0x6] =	stream.strided.gather [hbm4b:s20+s22], $0x200, s23, s22, $0x38;
	[tilespmem:$0x1DF28] =	vst v63  }
0x6f: {  	s16 =	sadd.s32 $0x70, s6;
	s17 =	simm.s32 $0x4200  }
0x70: {  	[tilespmem:s17], [sflag:$0x6] =	stream.strided.gather [hbm4b:s16+s22], $0x200, s23, s22, $0x38;
	[tilespmem:$0x1DF28] =	vst v63  }
0x71: {  	s18 =	sadd.s32 $0x4000, s6;
	s19 =	simm.s32 $0x4400  }
0x72: {  	[tilespmem:s19], [sflag:$0x6] =	stream.strided.gather [hbm4b:s18+s22], $0x200, s23, s22, $0x38;
	[tilespmem:$0x1DF28] =	vst v63  }
0x73: {  	s20 =	sadd.s32 $0x4010, s6;
	s21 =	simm.s32 $0x4600  }
0x74: {  	[tilespmem:s21], [sflag:$0x6] =	stream.strided.gather [hbm4b:s20+s22], $0x200, s23, s22, $0x38;
	[tilespmem:$0x1DF28] =	vst v63  }
0x75: {  	s15 =	sadd.s32 $0x4020, s6;
	s16 =	simm.s32 $0x4800  }
0x76: {  	[tilespmem:s16], [sflag:$0x6] =	stream.strided.gather [hbm4b:s15+s22], $0x200, s23, s22, $0x38;
	[tilespmem:$0x1DF28] =	vst v63  }
0x77: {  	s17 =	sadd.s32 $0x4030, s6;
	s18 =	simm.s32 $0x4A00  }
0x78: {  	[tilespmem:s18], [sflag:$0x6] =	stream.strided.gather [hbm4b:s17+s22], $0x200, s23, s22, $0x38;
	[tilespmem:$0x1DF28] =	vst v63  }
0x79: {  	s19 =	sadd.s32 $0x4040, s6;
	s20 =	simm.s32 $0x4C00  }
0x7a: {  	[tilespmem:s20], [sflag:$0x6] =	stream.strided.gather [hbm4b:s19+s22], $0x200, s23, s22, $0x38;
	[tilespmem:$0x1DF28] =	vst v63  }
0x7b: {  	_ =	swait.ge [sflag:s13], $0x1A00  }
0x7c: {  	[sflag:s13] =	ssyncset.done $0x0  }
0x7d: {  	[sflag:s13] =	ssyncadd.s32 $0xFFFFE600  }
0x7e: {  	s21 =	rddreg [dreg:$0x4]  }
0x7f: {  	[tilespmem:s26], [sflag:$0x6] =	stream.linear.gather [hbm4b:s21+s2], $0xD, $0x38;
	[tilespmem:$0x1DF28] =	vst v63  }
0x80: {  	_ =	swait.ge [sflag:s13], $0xD  }
0x81: {  	[sflag:s13] =	ssyncset.done $0x0  }
0x82: {  	[sflag:s13] =	ssyncadd.s32 $0xFFFFFFF3  }
0x83: {  	v0 =	vld [tilespmem:$0x4E00];
	_ =	sdelay $0x3  }
0x84: {  	p4 =	por @p0 $0x0, $0x0;
	p3 =	por @!p1 $0x1, $0x1  }
0x85: {  	s0 =	sshrl.u32 @!p1 s11, $0x3;
	p3 =	por @!p2 p4, p4;
	p4 =	por @!p0 $0x0, $0x0;
	v0 =	vnsel vm0, $0x0, v0  }
0x86: {  	s15 =	simm.s32 @!p0 $0x10;
	s16 =	simm.s32 @!p0 $0x80;
	s2 =	simm.s32 @!p1 $0x1F01;
	[tilespmem:$0x4E00] =	vst v0  }
0x87: {  	[spmem:s0], [sflag:s2] =	dma.local @!p1 [hbm:s8], $0x10  }
0x88: {  	s13 =	simm.s32 @!p0 $0x1;
	s0 =	sshll.u32 @!p0 s4, $0x6;
	s2 =	rddreg [dreg:$0xa]  }
0x89: {  	s0 =	sor.u32 @!p0 $0x1C01, s0;
	s6 =	rddreg [dreg:$0xb];
	s2 =	sshrl.u32 @!p0 s2, $0x3  }
0x8a: {  	[spmem:s2@s15], [sflag:s0] =	dma.strided @!p0 [hbm:s6@s16], $0x28B0, s13, $0x10   }
0x8b: {  	p3 =	por @!p0 p4, p4;
	s15 =	simm.s32 $0x0  }
.LBB2_2:
0x8c: {  	_ =	swait.ge @!p0 [sflag:s13], $0x28B0  }
0x8d: {  	[sflag:s13] =	ssyncset.done @!p0 $0x0  }
0x8e: {  	s16 =	simm.s32 @p3 $0x1;
	[sflag:s13] =	ssyncadd.s32 @!p0 $0xFFFFD750  }
0x8f: {  	_ =	swait.ge @p3 [sflag:s16], $0x10  }
0x90: {  	[sflag:s16] =	ssyncset.done @p3 $0x0  }
0x91: {  	p4 =	seq.s32 s15, $0x0;
	[sflag:s16] =	ssyncadd.s32 @p3 $0xFFFFFFF0  }
0x92: {  	s16 =	simm.s32 @!p4 $0x4;
	[bflag:$0x0] =	sbarrier.arrive $0xFFFF  }
0x93: {  	_ =	swait.ge @!p4 [sflag:s16], $0x4E00  }
0x94: {  	[sflag:s16] =	ssyncset.done @!p4 $0x0  }
0x95: {  	[sflag:s16] =	ssyncadd.s32 @!p4 $0xFFFFB200  }
0x96: {  	[tilespmem:s29], [sflag:$0x2] =	stream.indirect.gather [spmem:s5], $0x1, s26, s28, $0xb8;
	[tilespmem:$0x1DF28] =	vst v63  }
0x97: {  	s6 =	simm.s32 $0x0;
	s21 =	simm.s32 $0x6900  }
0x98: {  	[tilespmem:s21], [sflag:$0x3] =	stream.indirect.gather [spmem:s5], $0x1, s6, s24, $0xb8;
	[tilespmem:$0x1DF28] =	vst v63  }
0x99: {  	s16 =	simm.s32 $0x6B00  }
0x9a: {  	[tilespmem:s16], [sflag:$0x3] =	stream.indirect.gather [spmem:s5], $0x1, s24, s24, $0xb8;
	[tilespmem:$0x1DF28] =	vst v63  }
0x9b: {  	s17 =	simm.s32 $0x6D00  }
0x9c: {  	[tilespmem:s17], [sflag:$0x3] =	stream.indirect.gather [spmem:s5], $0x1, s23, s24, $0xb8;
	[tilespmem:$0x1DF28] =	vst v63  }
0x9d: {  	s18 =	simm.s32 $0x6F00  }
0x9e: {  	[tilespmem:s18], [sflag:$0x3] =	stream.indirect.gather [spmem:s5], $0x1, s9, s24, $0xb8;
	[tilespmem:$0x1DF28] =	vst v63  }
0x9f: {  	s19 =	simm.s32 $0x7100  }
0xa0: {  	[tilespmem:s19], [sflag:$0x3] =	stream.indirect.gather [spmem:s5], $0x1, s10, s24, $0xb8;
	[tilespmem:$0x1DF28] =	vst v63  }
0xa1: {  	s20 =	simm.s32 $0xA00;
	s21 =	simm.s32 $0x7300  }
0xa2: {  	[tilespmem:s21], [sflag:$0x3] =	stream.indirect.gather [spmem:s5], $0x1, s20, s24, $0xb8;
	[tilespmem:$0x1DF28] =	vst v63  }
0xa3: {  	s16 =	simm.s32 $0xC00;
	s17 =	simm.s32 $0x7500  }
0xa4: {  	[tilespmem:s17], [sflag:$0x3] =	stream.indirect.gather [spmem:s5], $0x1, s16, s24, $0xb8;
	[tilespmem:$0x1DF28] =	vst v63  }
0xa5: {  	s18 =	simm.s32 $0xE00;
	s19 =	simm.s32 $0x7700  }
0xa6: {  	[tilespmem:s19], [sflag:$0x3] =	stream.indirect.gather [spmem:s5], $0x1, s18, s24, $0xb8;
	[tilespmem:$0x1DF28] =	vst v63  }
0xa7: {  	s20 =	simm.s32 $0x1000;
	s21 =	simm.s32 $0x7900  }
0xa8: {  	[tilespmem:s21], [sflag:$0x3] =	stream.indirect.gather [spmem:s5], $0x1, s20, s24, $0xb8;
	[tilespmem:$0x1DF28] =	vst v63  }
0xa9: {  	s16 =	simm.s32 $0x1200;
	s17 =	simm.s32 $0x7B00  }
0xaa: {  	[tilespmem:s17], [sflag:$0x3] =	stream.indirect.gather [spmem:s5], $0x1, s16, s24, $0xb8;
	[tilespmem:$0x1DF28] =	vst v63  }
0xab: {  	s18 =	simm.s32 $0x1400;
	s19 =	simm.s32 $0x7D00  }
0xac: {  	[tilespmem:s19], [sflag:$0x3] =	stream.indirect.gather [spmem:s5], $0x1, s18, s24, $0xb8;
	[tilespmem:$0x1DF28] =	vst v63  }
0xad: {  	s20 =	simm.s32 $0x1600;
	s21 =	simm.s32 $0x7F00  }
0xae: {  	[tilespmem:s21], [sflag:$0x3] =	stream.indirect.gather [spmem:s5], $0x1, s20, s24, $0xb8;
	[tilespmem:$0x1DF28] =	vst v63  }
0xaf: {  	s16 =	simm.s32 $0x1800;
	s17 =	simm.s32 $0x8100  }
0xb0: {  	[tilespmem:s17], [sflag:$0x3] =	stream.indirect.gather [spmem:s5], $0x1, s16, s24, $0xb8;
	[tilespmem:$0x1DF28] =	vst v63  }
0xb1: {  	s18 =	simm.s32 $0x1A00;
	s19 =	simm.s32 $0x8300  }
0xb2: {  	[tilespmem:s19], [sflag:$0x3] =	stream.indirect.gather [spmem:s5], $0x1, s18, s24, $0xb8;
	[tilespmem:$0x1DF28] =	vst v63  }
0xb3: {  	s20 =	simm.s32 $0x1C00;
	s21 =	simm.s32 $0x8500  }
0xb4: {  	[tilespmem:s21], [sflag:$0x3] =	stream.indirect.gather [spmem:s5], $0x1, s20, s24, $0xb8;
	[tilespmem:$0x1DF28] =	vst v63  }
0xb5: {  	s16 =	simm.s32 $0x1E00;
	s17 =	simm.s32 $0x8700  }
0xb6: {  	[tilespmem:s17], [sflag:$0x3] =	stream.indirect.gather [spmem:s5], $0x1, s16, s24, $0xb8;
	[tilespmem:$0x1DF28] =	vst v63  }
0xb7: {  	s18 =	simm.s32 $0x2000;
	s19 =	simm.s32 $0x8900  }
0xb8: {  	[tilespmem:s19], [sflag:$0x3] =	stream.indirect.gather [spmem:s5], $0x1, s18, s24, $0xb8;
	[tilespmem:$0x1DF28] =	vst v63  }
0xb9: {  	s20 =	simm.s32 $0x2200;
	s21 =	simm.s32 $0x8B00  }
0xba: {  	[tilespmem:s21], [sflag:$0x3] =	stream.indirect.gather [spmem:s5], $0x1, s20, s24, $0xb8;
	[tilespmem:$0x1DF28] =	vst v63  }
0xbb: {  	s16 =	simm.s32 $0x2400;
	s17 =	simm.s32 $0x8D00  }
0xbc: {  	[tilespmem:s17], [sflag:$0x3] =	stream.indirect.gather [spmem:s5], $0x1, s16, s24, $0xb8;
	[tilespmem:$0x1DF28] =	vst v63  }
0xbd: {  	s18 =	simm.s32 $0x2600;
	s19 =	simm.s32 $0x8F00  }
0xbe: {  	[tilespmem:s19], [sflag:$0x3] =	stream.indirect.gather [spmem:s5], $0x1, s18, s24, $0xb8;
	[tilespmem:$0x1DF28] =	vst v63  }
0xbf: {  	s20 =	simm.s32 $0x2800;
	s21 =	simm.s32 $0x9100  }
0xc0: {  	[tilespmem:s21], [sflag:$0x3] =	stream.indirect.gather [spmem:s5], $0x1, s20, s24, $0xb8;
	[tilespmem:$0x1DF28] =	vst v63  }
0xc1: {  	s16 =	simm.s32 $0x2A00;
	s17 =	simm.s32 $0x9300  }
0xc2: {  	[tilespmem:s17], [sflag:$0x3] =	stream.indirect.gather [spmem:s5], $0x1, s16, s24, $0xb8;
	[tilespmem:$0x1DF28] =	vst v63  }
0xc3: {  	s18 =	simm.s32 $0x9500  }
0xc4: {  	[tilespmem:s18], [sflag:$0x3] =	stream.indirect.gather [spmem:s5], $0x1, s1, s24, $0xb8;
	[tilespmem:$0x1DF28] =	vst v63  }
0xc5: {  	s19 =	simm.s32 $0x9700  }
0xc6: {  	[tilespmem:s19], [sflag:$0x3] =	stream.indirect.gather [spmem:s5], $0x1, s3, s24, $0xb8;
	[tilespmem:$0x1DF28] =	vst v63  }
0xc7: {  	s20 =	simm.s32 $0x9900  }
0xc8: {  	[tilespmem:s20], [sflag:$0x3] =	stream.indirect.gather [spmem:s5], $0x1, s12, s24, $0xb8;
	[tilespmem:$0x1DF28] =	vst v63  }
0xc9: {  	s21 =	simm.s32 $0x9B00  }
0xca: {  	[tilespmem:s21], [sflag:$0x3] =	stream.indirect.gather [spmem:s5], $0x1, s25, s24, $0xb8;
	[tilespmem:$0x1DF28] =	vst v63  }
0xcb: {  	_ =	swait.ge [sflag:s30], $0x10  }
0xcc: {  	[sflag:s30] =	ssyncset.done $0x0  }
0xcd: {  	[sflag:s30] =	ssyncadd.s32 $0xFFFFFFF0  }
0xce: {  	s18 =	simm.s32 $0xFFFFFE00;
	v6 =	vld [tilespmem:$0x4E80]  }
0xcf: {  	v2 =	vld [tilespmem:s18+$0x4E00]  }
0xd0: {  	v3 =	vld [tilespmem:s18+$0x3600]  }
0xd1: {  	v4 =	vld [tilespmem:s18+$0x3800]  }
0xd2: {  	v9 =	vld [tilespmem:s18+$0x3E00]  }
0xd3: {  	v5 =	vld [tilespmem:s18+$0x3A00];
	v1 =	vbroadcast v6, $0xC  }
0xd4: {  	v8 =	vld [tilespmem:s18+$0x3C00];
	v0 =	vbroadcast v6, $0x0;
	v11 =	vbroadcast v6, $0x4  }
0xd5: {  	v17 =	vld [tilespmem:s18+$0x4000];
	v12 =	vbroadcast v6, $0x5;
	v7 =	vmul.f32 v2, v1  }
0xd6: {  	v2 =	vbroadcast v6, $0x1;
	v10 =	vmul.f32 v3, v0  }
0xd7: {  	v3 =	vbroadcast v6, $0x2;
	v18 =	vmul.f32 v9, v11;
	[tilespmem:s18+$0x6900] =	vst v7  }
0xd8: {  	v19 =	vld [tilespmem:s18+$0x4200];
	v4 =	vmul.f32 v4, v2;
	[tilespmem:s18+$0x5100] =	vst v10;
	v7 =	vbroadcast v6, $0x3  }
0xd9: {  	v13 =	vld [tilespmem:s18+$0x4400];
	v9 =	vbroadcast v6, $0x8;
	v5 =	vmul.f32 v5, v3;
	[tilespmem:s18+$0x5900] =	vst v18  }
0xda: {  	v14 =	vld [tilespmem:s18+$0x4600];
	v18 =	vmul.f32 v17, v12;
	[tilespmem:s18+$0x5300] =	vst v4;
	v10 =	vmul.f32 v8, v7  }
0xdb: {  	v15 =	vld [tilespmem:s18+$0x4800];
	[tilespmem:s18+$0x5500] =	vst v5;
	v8 =	vbroadcast v6, $0x6;
	v4 =	vbroadcast v6, $0x7  }
0xdc: {  	s17 =	sshll.u32 s15, $0x1;
	v16 =	vld [tilespmem:s18+$0x4A00];
	v5 =	vbroadcast v6, $0x9;
	[tilespmem:s18+$0x5700] =	vst v10;
	v10 =	vbroadcast v6, $0xA  }
0xdd: {  	s16 =	sshllo.u32 s15, $0x1;
	s19 =	simm.s32 $0xFFFFFE10;
	s20 =	simm.s32 $0xFFFFF880;
	v17 =	vld [tilespmem:s18+$0x4C00];
	v6 =	vbroadcast v6, $0xB;
	v19 =	vmul.f32 v19, v8  }
.LBB2_3:
0xde: {  	p5 =	sne.s32 s20, $0xFFFFFFC0;
	v20 =	vld [tilespmem:s19+$0x4E00];
	[tilespmem:s18+$0x5B00] =	vst v18;
	v13 =	vmul.f32 v13, v4  }
0xdf: {  	v18 =	vld [tilespmem:s19+$0x3600];
	[tilespmem:s18+$0x5D00] =	vst v19;
	v14 =	vmul.f32 v14, v9  }
0xe0: {  	v19 =	vld [tilespmem:s19+$0x3800];
	[tilespmem:s18+$0x5F00] =	vst v13;
	v13 =	vmul.f32 v15, v5  }
0xe1: {  	v15 =	vld [tilespmem:s19+$0x3A00];
	[tilespmem:s18+$0x6100] =	vst v14;
	v14 =	vmul.f32 v16, v10  }
0xe2: {  	v16 =	vld [tilespmem:s19+$0x3C00];
	[tilespmem:s18+$0x6300] =	vst v13;
	v13 =	vmul.f32 v17, v6  }
0xe3: {  	v17 =	vld [tilespmem:s19+$0x3E00];
	v20 =	vmul.f32 v20, v1;
	[tilespmem:s18+$0x6500] =	vst v14  }
0xe4: {  	v14 =	vmul.f32 v18, v0;
	v18 =	vld [tilespmem:s19+$0x4000];
	[tilespmem:s18+$0x6700] =	vst v13;
	s18 =	smov.u32 s19  }
0xe5: {  	v19 =	vmul.f32 v19, v2;
	v21 =	vld [tilespmem:s18+$0x4200];
	[tilespmem:s18+$0x6900] =	vst v20  }
.Ltmp0:
0xe6: {  	[tilespmem:s18+$0x5100] =	vst v14;
	v15 =	vmul.f32 v15, v3;
	v13 =	vld [tilespmem:s18+$0x4400];
	(pc) =	sbr.rel @p5 .LBB2_3-.Ltmp0, $4  }
0xe7: {  	[tilespmem:s18+$0x5300] =	vst v19;
	v16 =	vmul.f32 v16, v7;
	v14 =	vld [tilespmem:s18+$0x4600]  }
0xe8: {  	[tilespmem:s18+$0x5500] =	vst v15;
	v17 =	vmul.f32 v17, v11;
	v15 =	vld [tilespmem:s18+$0x4800]  }
0xe9: {  	[tilespmem:s18+$0x5700] =	vst v16;
	v18 =	vmul.f32 v18, v12;
	v16 =	vld [tilespmem:s18+$0x4A00]  }
0xea: {  	s19 =	sshra.s32 s20, $0x2;
	s20 =	sadd.s32 $0x40, s20;
	[tilespmem:s18+$0x5900] =	vst v17;
	v19 =	vmul.f32 v21, v8;
	v17 =	vld [tilespmem:s18+$0x4C00]  }
0xeb: {  	v20 =	vld [tilespmem:s19+$0x4E00];
	[tilespmem:s18+$0x5B00] =	vst v18;
	v13 =	vmul.f32 v13, v4  }
0xec: {  	v18 =	vld [tilespmem:s19+$0x3600];
	[tilespmem:s18+$0x5D00] =	vst v19;
	v14 =	vmul.f32 v14, v9  }
0xed: {  	v19 =	vld [tilespmem:s19+$0x3800];
	[tilespmem:s18+$0x5F00] =	vst v13;
	v15 =	vmul.f32 v15, v5  }
0xee: {  	v13 =	vld [tilespmem:s19+$0x3A00];
	[tilespmem:s18+$0x6100] =	vst v14;
	v16 =	vmul.f32 v16, v10  }
0xef: {  	v14 =	vld [tilespmem:s19+$0x3C00];
	[tilespmem:s18+$0x6300] =	vst v15;
	v17 =	vmul.f32 v17, v6  }
0xf0: {  	v15 =	vld [tilespmem:s19+$0x3E00];
	[tilespmem:s18+$0x6500] =	vst v16;
	v1 =	vmul.f32 v20, v1  }
0xf1: {  	v16 =	vld [tilespmem:s19+$0x4000];
	[tilespmem:s18+$0x6700] =	vst v17;
	v0 =	vmul.f32 v18, v0  }
0xf2: {  	v17 =	vld [tilespmem:s19+$0x4200];
	[tilespmem:s19+$0x6900] =	vst v1;
	v50 =	vmul.f32 v19, v2  }
0xf3: {  	v51 =	vld [tilespmem:s19+$0x4400];
	[tilespmem:s19+$0x5100] =	vst v0;
	v52 =	vmul.f32 v13, v3  }
0xf4: {  	v53 =	vld [tilespmem:s19+$0x4600];
	[tilespmem:s19+$0x5300] =	vst v50;
	v54 =	vmul.f32 v14, v7  }
0xf5: {  	v55 =	vld [tilespmem:s19+$0x4800];
	[tilespmem:s19+$0x5500] =	vst v52;
	v56 =	vmul.f32 v15, v11  }
0xf6: {  	v57 =	vld [tilespmem:s19+$0x4A00];
	[tilespmem:s19+$0x5700] =	vst v54;
	v58 =	vmul.f32 v16, v12  }
0xf7: {  	v60 =	vld [tilespmem:s19+$0x4C00];
	[tilespmem:s19+$0x5900] =	vst v56;
	v59 =	vmul.f32 v17, v8  }
0xf8: {  	v0 =	vmul.f32 v51, v4;
	[tilespmem:s19+$0x5B00] =	vst v58  }
0xf9: {  	v1 =	vmul.f32 v53, v9;
	[tilespmem:s19+$0x5D00] =	vst v59  }
0xfa: {  	v61 =	vmul.f32 v55, v5;
	[tilespmem:s19+$0x5F00] =	vst v0  }
0xfb: {  	v62 =	vmul.f32 v57, v10;
	[tilespmem:s19+$0x6100] =	vst v1  }
0xfc: {  	v63 =	vmul.f32 v60, v6;
	[tilespmem:s19+$0x6300] =	vst v61  }
0xfd: {  	[tilespmem:s19+$0x6500] =	vst v62  }
0xfe: {  	[tilespmem:s19+$0x6700] =	vst v63  }
0xff: {  	_ =	swait.ge [sflag:s31], $0x200  }
0x100: {  	[sflag:s31] =	ssyncset.done $0x0  }
0x101: {  	[sflag:s31] =	ssyncadd.s32 $0xFFFFFE00  }
0x102: {  	_ =	swait.ge [sflag:s31], $0x200  }
0x103: {  	[sflag:s31] =	ssyncset.done $0x0  }
0x104: {  	[sflag:s31] =	ssyncadd.s32 $0xFFFFFE00  }
0x105: {  	_ =	swait.ge [sflag:s31], $0x200  }
0x106: {  	[sflag:s31] =	ssyncset.done $0x0  }
0x107: {  	[sflag:s31] =	ssyncadd.s32 $0xFFFFFE00  }
0x108: {  	_ =	swait.ge [sflag:s31], $0x200  }
0x109: {  	[sflag:s31] =	ssyncset.done $0x0  }
0x10a: {  	[sflag:s31] =	ssyncadd.s32 $0xFFFFFE00  }
0x10b: {  	_ =	swait.ge [sflag:s31], $0x200  }
0x10c: {  	[sflag:s31] =	ssyncset.done $0x0  }
0x10d: {  	[sflag:s31] =	ssyncadd.s32 $0xFFFFFE00  }
0x10e: {  	_ =	swait.ge [sflag:s31], $0x200  }
0x10f: {  	[sflag:s31] =	ssyncset.done $0x0  }
0x110: {  	[sflag:s31] =	ssyncadd.s32 $0xFFFFFE00  }
0x111: {  	_ =	swait.ge [sflag:s31], $0x200  }
0x112: {  	[sflag:s31] =	ssyncset.done $0x0  }
0x113: {  	[sflag:s31] =	ssyncadd.s32 $0xFFFFFE00  }
0x114: {  	_ =	swait.ge [sflag:s31], $0x200  }
0x115: {  	[sflag:s31] =	ssyncset.done $0x0  }
0x116: {  	[sflag:s31] =	ssyncadd.s32 $0xFFFFFE00  }
0x117: {  	_ =	swait.ge [sflag:s31], $0x200  }
0x118: {  	[sflag:s31] =	ssyncset.done $0x0  }
0x119: {  	[sflag:s31] =	ssyncadd.s32 $0xFFFFFE00  }
0x11a: {  	_ =	swait.ge [sflag:s31], $0x200  }
0x11b: {  	[sflag:s31] =	ssyncset.done $0x0  }
0x11c: {  	[sflag:s31] =	ssyncadd.s32 $0xFFFFFE00  }
0x11d: {  	_ =	swait.ge [sflag:s31], $0x200  }
0x11e: {  	[sflag:s31] =	ssyncset.done $0x0  }
0x11f: {  	[sflag:s31] =	ssyncadd.s32 $0xFFFFFE00  }
0x120: {  	_ =	swait.ge [sflag:s31], $0x200  }
0x121: {  	[sflag:s31] =	ssyncset.done $0x0  }
0x122: {  	[sflag:s31] =	ssyncadd.s32 $0xFFFFFE00  }
0x123: {  	_ =	swait.ge [sflag:s31], $0x200  }
0x124: {  	[sflag:s31] =	ssyncset.done $0x0  }
0x125: {  	[sflag:s31] =	ssyncadd.s32 $0xFFFFFE00  }
0x126: {  	_ =	swait.ge [sflag:s31], $0x200  }
0x127: {  	[sflag:s31] =	ssyncset.done $0x0  }
0x128: {  	[sflag:s31] =	ssyncadd.s32 $0xFFFFFE00  }
0x129: {  	_ =	swait.ge [sflag:s31], $0x200  }
0x12a: {  	[sflag:s31] =	ssyncset.done $0x0  }
0x12b: {  	[sflag:s31] =	ssyncadd.s32 $0xFFFFFE00  }
0x12c: {  	_ =	swait.ge [sflag:s31], $0x200  }
0x12d: {  	[sflag:s31] =	ssyncset.done $0x0  }
0x12e: {  	[sflag:s31] =	ssyncadd.s32 $0xFFFFFE00  }
0x12f: {  	_ =	swait.ge [sflag:s31], $0x200  }
0x130: {  	[sflag:s31] =	ssyncset.done $0x0  }
0x131: {  	[sflag:s31] =	ssyncadd.s32 $0xFFFFFE00  }
0x132: {  	_ =	swait.ge [sflag:s31], $0x200  }
0x133: {  	[sflag:s31] =	ssyncset.done $0x0  }
0x134: {  	[sflag:s31] =	ssyncadd.s32 $0xFFFFFE00  }
0x135: {  	_ =	swait.ge [sflag:s31], $0x200  }
0x136: {  	[sflag:s31] =	ssyncset.done $0x0  }
0x137: {  	[sflag:s31] =	ssyncadd.s32 $0xFFFFFE00  }
0x138: {  	_ =	swait.ge [sflag:s31], $0x200  }
0x139: {  	[sflag:s31] =	ssyncset.done $0x0  }
0x13a: {  	[sflag:s31] =	ssyncadd.s32 $0xFFFFFE00  }
0x13b: {  	_ =	swait.ge [sflag:s31], $0x200  }
0x13c: {  	[sflag:s31] =	ssyncset.done $0x0  }
0x13d: {  	[sflag:s31] =	ssyncadd.s32 $0xFFFFFE00  }
0x13e: {  	_ =	swait.ge [sflag:s31], $0x200  }
0x13f: {  	[sflag:s31] =	ssyncset.done $0x0  }
0x140: {  	[sflag:s31] =	ssyncadd.s32 $0xFFFFFE00  }
0x141: {  	_ =	swait.ge [sflag:s31], $0x200  }
0x142: {  	[sflag:s31] =	ssyncset.done $0x0  }
0x143: {  	[sflag:s31] =	ssyncadd.s32 $0xFFFFFE00  }
0x144: {  	_ =	swait.ge [sflag:s31], $0x200  }
0x145: {  	[sflag:s31] =	ssyncset.done $0x0  }
0x146: {  	[sflag:s31] =	ssyncadd.s32 $0xFFFFFE00  }
0x147: {  	_ =	swait.ge [sflag:s31], $0x200  }
0x148: {  	[sflag:s31] =	ssyncset.done $0x0  }
0x149: {  	s18 =	sshrl.u32 @!p0 s15, $0x2;
	[sflag:s31] =	ssyncadd.s32 $0xFFFFFE00  }
0x14a: {  	s18 =	smul.u32 @!p0 $0x7A1400, s18;
	_ =	swait.ge [sflag:s31], $0x200  }
0x14b: {  	s19 =	sshll.u32 @!p0 s16, $0x7;
	[sflag:s31] =	ssyncset.done $0x0  }
0x14c: {  	s18 =	sadd.s32 @!p0 s14, s18;
	s19 =	sand.u32 @!p0 $0x380, s19;
	[sflag:s31] =	ssyncadd.s32 $0xFFFFFE00  }
0x14d: {  	s18 =	sor.u32 @!p0 s18, s19;
	[bflag:$0x0] =	sbarrier.arrive $0xFFFF  }
0x14e: {  	s20 =	simm.s32 @!p0 $0x10;
	s18 =	sshrl.u32 @!p0 s18, $0x3;
	s6 =	rddreg [dreg:$0x2]  }
0x14f: {  	s21 =	simm.s32 @!p0 $0x80;
	s19 =	simm.s32 @!p0 $0x1;
	s18 =	sadd.s32 @!p0 s6, s18  }
0x150: {  	[spmem:s2@s20], [sflag:s0] =	dma.strided @!p0 [hbm:s18@s21], $0x28B0, s19, $0x10   }
0x151: {  	s18 =	sshll.u32 @p3 s15, $0x5  }
0x152: {  	s19 =	sshll.u32 @p3 s16, $0x4;
	s18 =	sand.u32 @p3 $0x180, s18  }
0x153: {  	s20 =	sshll.u32 @p3 s4, $0x6;
	s19 =	sand.u32 @p3 $0x70, s19;
	s18 =	sadd.s32 @p3 s8, s18  }
0x154: {  	s18 =	sadd.s32 @p3 s19, s18;
	s19 =	sor.u32 @p3 $0x1C01, s20;
	s20 =	sshrl.u32 @p3 s11, $0x3  }
0x155: {  	[spmem:s20], [sflag:s19] =	dma.local @p3 [hbm:s18], $0x10  }
0x156: {  	s20 =	sshll.u32 s15, $0x8  }
0x157: {  	s6 =	sshll.u32 s15, $0xF;
	s21 =	sand.u32 $0x300, s20  }
0x158: {  	s18 =	sand.u32 $0x60000, s6;
	s19 =	sor.u32 s7, s21  }
0x159: {  	s19 =	sor.u32 s18, s19  }
0x15a: {  	s20 =	rddreg [dreg:$0x5];
	s19 =	sshrl.u32 s19, $0x3  }
0x15b: {  	s21 =	simm.s32 $0x4F00;
	s19 =	sadd.s32 s20, s19;
	s20 =	simm.s32 $0x800  }
0x15c: {  	[hbm4b:s19+s22] =	stream.strided.scatter [tilespmem:s21], [sflag:$0x4], $0x200, s23, s22, $0x38;
	[tilespmem:$0x1DF28] =	vst v63  }
.LBB2_5:
0x15d: {  	p5 =	sne.s32 s20, $0x13000  }
.Ltmp1:
0x15e: {  	_ = 	snop;
	(pc) =	sbr.rel @p5 .LBB2_5-.Ltmp1, $4  }
0x15f: {  	_ = 	snop  }
0x160: {  	s21 =	sshra.s32 s20, $0x2;
	s20 =	sadd.s32 $0x800, s20  }
0x161: {  	s19 =	sadd.s32 $0x10000, s19;
	s21 =	sadd.s32 $0x4F00, s21  }
0x162: {  	[hbm4b:s19+s22] =	stream.strided.scatter [tilespmem:s21], [sflag:$0x4], $0x200, s23, s22, $0x38;
	[tilespmem:$0x1DF28] =	vst v63  }
0x163: {  	s19 =	simm.s32 @!p0 $0x1  }
0x164: {  	_ =	swait.ge @!p0 [sflag:s19], $0x28B0  }
0x165: {  	[sflag:s19] =	ssyncset.done @!p0 $0x0  }
0x166: {  	[sflag:s19] =	ssyncadd.s32 @!p0 $0xFFFFD750;
	s19 =	simm.s32 @p3 $0x1  }
0x167: {  	_ =	swait.ge @p3 [sflag:s19], $0x10  }
0x168: {  	[sflag:s19] =	ssyncset.done @p3 $0x0  }
0x169: {  	[sflag:s19] =	ssyncadd.s32 @p3 $0xFFFFFFF0  }
0x16a: {  	s19 =	simm.s32 @!p4 $0x5;
	[bflag:$0x0] =	sbarrier.arrive $0xFFFF  }
0x16b: {  	_ =	swait.ge @!p4 [sflag:s19], $0x4E00  }
0x16c: {  	[sflag:s19] =	ssyncset.done @!p4 $0x0  }
0x16d: {  	[sflag:s19] =	ssyncadd.s32 @!p4 $0xFFFFB200  }
0x16e: {  	[tilespmem:s29], [sflag:$0x2] =	stream.indirect.gather [spmem:s5], $0x1, s26, s28, $0xb8;
	[tilespmem:$0x1DF28] =	vst v63  }
0x16f: {  	s21 =	simm.s32 $0x0;
	s6 =	simm.s32 $0xB700  }
0x170: {  	[tilespmem:s6], [sflag:$0x3] =	stream.indirect.gather [spmem:s5], $0x1, s21, s24, $0xb8;
	[tilespmem:$0x1DF28] =	vst v63  }
0x171: {  	s19 =	simm.s32 $0xB900  }
0x172: {  	[tilespmem:s19], [sflag:$0x3] =	stream.indirect.gather [spmem:s5], $0x1, s24, s24, $0xb8;
	[tilespmem:$0x1DF28] =	vst v63  }
0x173: {  	s20 =	simm.s32 $0xBB00  }
0x174: {  	[tilespmem:s20], [sflag:$0x3] =	stream.indirect.gather [spmem:s5], $0x1, s23, s24, $0xb8;
	[tilespmem:$0x1DF28] =	vst v63  }
0x175: {  	s21 =	simm.s32 $0xBD00  }
0x176: {  	[tilespmem:s21], [sflag:$0x3] =	stream.indirect.gather [spmem:s5], $0x1, s9, s24, $0xb8;
	[tilespmem:$0x1DF28] =	vst v63  }
0x177: {  	s19 =	simm.s32 $0xBF00  }
0x178: {  	[tilespmem:s19], [sflag:$0x3] =	stream.indirect.gather [spmem:s5], $0x1, s10, s24, $0xb8;
	[tilespmem:$0x1DF28] =	vst v63  }
0x179: {  	s20 =	simm.s32 $0xA00;
	s21 =	simm.s32 $0xC100  }
0x17a: {  	[tilespmem:s21], [sflag:$0x3] =	stream.indirect.gather [spmem:s5], $0x1, s20, s24, $0xb8;
	[tilespmem:$0x1DF28] =	vst v63  }
0x17b: {  	s10 =	simm.s32 $0xC00;
	s19 =	simm.s32 $0xC300  }
0x17c: {  	[tilespmem:s19], [sflag:$0x3] =	stream.indirect.gather [spmem:s5], $0x1, s10, s24, $0xb8;
	[tilespmem:$0x1DF28] =	vst v63  }
0x17d: {  	s20 =	simm.s32 $0xE00;
	s21 =	simm.s32 $0xC500  }
0x17e: {  	[tilespmem:s21], [sflag:$0x3] =	stream.indirect.gather [spmem:s5], $0x1, s20, s24, $0xb8;
	[tilespmem:$0x1DF28] =	vst v63  }
0x17f: {  	s10 =	simm.s32 $0x1000;
	s19 =	simm.s32 $0xC700  }
0x180: {  	[tilespmem:s19], [sflag:$0x3] =	stream.indirect.gather [spmem:s5], $0x1, s10, s24, $0xb8;
	[tilespmem:$0x1DF28] =	vst v63  }
0x181: {  	s20 =	simm.s32 $0x1200;
	s21 =	simm.s32 $0xC900  }
0x182: {  	[tilespmem:s21], [sflag:$0x3] =	stream.indirect.gather [spmem:s5], $0x1, s20, s24, $0xb8;
	[tilespmem:$0x1DF28] =	vst v63  }
0x183: {  	s10 =	simm.s32 $0x1400;
	s19 =	simm.s32 $0xCB00  }
0x184: {  	[tilespmem:s19], [sflag:$0x3] =	stream.indirect.gather [spmem:s5], $0x1, s10, s24, $0xb8;
	[tilespmem:$0x1DF28] =	vst v63  }
0x185: {  	s20 =	simm.s32 $0x1600;
	s21 =	simm.s32 $0xCD00  }
0x186: {  	[tilespmem:s21], [sflag:$0x3] =	stream.indirect.gather [spmem:s5], $0x1, s20, s24, $0xb8;
	[tilespmem:$0x1DF28] =	vst v63  }
0x187: {  	s10 =	simm.s32 $0x1800;
	s19 =	simm.s32 $0xCF00  }
0x188: {  	[tilespmem:s19], [sflag:$0x3] =	stream.indirect.gather [spmem:s5], $0x1, s10, s24, $0xb8;
	[tilespmem:$0x1DF28] =	vst v63  }
0x189: {  	s20 =	simm.s32 $0x1A00;
	s21 =	simm.s32 $0xD100  }
0x18a: {  	[tilespmem:s21], [sflag:$0x3] =	stream.indirect.gather [spmem:s5], $0x1, s20, s24, $0xb8;
	[tilespmem:$0x1DF28] =	vst v63  }
0x18b: {  	s10 =	simm.s32 $0x1C00;
	s19 =	simm.s32 $0xD300  }
0x18c: {  	[tilespmem:s19], [sflag:$0x3] =	stream.indirect.gather [spmem:s5], $0x1, s10, s24, $0xb8;
	[tilespmem:$0x1DF28] =	vst v63  }
0x18d: {  	s20 =	simm.s32 $0x1E00;
	s21 =	simm.s32 $0xD500  }
0x18e: {  	[tilespmem:s21], [sflag:$0x3] =	stream.indirect.gather [spmem:s5], $0x1, s20, s24, $0xb8;
	[tilespmem:$0x1DF28] =	vst v63  }
0x18f: {  	s10 =	simm.s32 $0x2000;
	s19 =	simm.s32 $0xD700  }
0x190: {  	[tilespmem:s19], [sflag:$0x3] =	stream.indirect.gather [spmem:s5], $0x1, s10, s24, $0xb8;
	[tilespmem:$0x1DF28] =	vst v63  }
0x191: {  	s20 =	simm.s32 $0x2200;
	s21 =	simm.s32 $0xD900  }
0x192: {  	[tilespmem:s21], [sflag:$0x3] =	stream.indirect.gather [spmem:s5], $0x1, s20, s24, $0xb8;
	[tilespmem:$0x1DF28] =	vst v63  }
0x193: {  	s10 =	simm.s32 $0x2400;
	s19 =	simm.s32 $0xDB00  }
0x194: {  	[tilespmem:s19], [sflag:$0x3] =	stream.indirect.gather [spmem:s5], $0x1, s10, s24, $0xb8;
	[tilespmem:$0x1DF28] =	vst v63  }
0x195: {  	s20 =	simm.s32 $0x2600;
	s21 =	simm.s32 $0xDD00  }
0x196: {  	[tilespmem:s21], [sflag:$0x3] =	stream.indirect.gather [spmem:s5], $0x1, s20, s24, $0xb8;
	[tilespmem:$0x1DF28] =	vst v63  }
0x197: {  	s10 =	simm.s32 $0x2800;
	s19 =	simm.s32 $0xDF00  }
0x198: {  	[tilespmem:s19], [sflag:$0x3] =	stream.indirect.gather [spmem:s5], $0x1, s10, s24, $0xb8;
	[tilespmem:$0x1DF28] =	vst v63  }
0x199: {  	s20 =	simm.s32 $0x2A00;
	s21 =	simm.s32 $0xE100  }
0x19a: {  	[tilespmem:s21], [sflag:$0x3] =	stream.indirect.gather [spmem:s5], $0x1, s20, s24, $0xb8;
	[tilespmem:$0x1DF28] =	vst v63  }
0x19b: {  	s10 =	simm.s32 $0xE300  }
0x19c: {  	[tilespmem:s10], [sflag:$0x3] =	stream.indirect.gather [spmem:s5], $0x1, s1, s24, $0xb8;
	[tilespmem:$0x1DF28] =	vst v63  }
0x19d: {  	s19 =	simm.s32 $0xE500  }
0x19e: {  	[tilespmem:s19], [sflag:$0x3] =	stream.indirect.gather [spmem:s5], $0x1, s3, s24, $0xb8;
	[tilespmem:$0x1DF28] =	vst v63  }
0x19f: {  	s20 =	simm.s32 $0xE700  }
0x1a0: {  	[tilespmem:s20], [sflag:$0x3] =	stream.indirect.gather [spmem:s5], $0x1, s12, s24, $0xb8;
	[tilespmem:$0x1DF28] =	vst v63  }
0x1a1: {  	s21 =	simm.s32 $0xE900  }
0x1a2: {  	[tilespmem:s21], [sflag:$0x3] =	stream.indirect.gather [spmem:s5], $0x1, s25, s24, $0xb8;
	[tilespmem:$0x1DF28] =	vst v63  }
0x1a3: {  	_ =	swait.ge [sflag:s30], $0x10  }
0x1a4: {  	[sflag:s30] =	ssyncset.done $0x0  }
0x1a5: {  	[sflag:s30] =	ssyncadd.s32 $0xFFFFFFF0  }
0x1a6: {  	v3 =	vld [tilespmem:$0x4E80]  }
0x1a7: {  	s19 =	simm.s32 $0x0  }
0x1a8: {  	v2 =	vld [tilespmem:s19+$0x4C00]  }
0x1a9: {  	v4 =	vld [tilespmem:s19+$0x3400]  }
0x1aa: {  	v10 =	vld [tilespmem:s19+$0x3C00]  }
0x1ab: {  	v5 =	vld [tilespmem:s19+$0x3600];
	v1 =	vbroadcast v3, $0xC  }
0x1ac: {  	v6 =	vld [tilespmem:s19+$0x3800];
	v0 =	vbroadcast v3, $0x0;
	v11 =	vbroadcast v3, $0x4  }
0x1ad: {  	v17 =	vld [tilespmem:s19+$0x3E00];
	v12 =	vbroadcast v3, $0x5;
	v8 =	vmul.f32 v2, v1  }
0x1ae: {  	v7 =	vld [tilespmem:s19+$0x3A00];
	v2 =	vbroadcast v3, $0x1;
	v9 =	vmul.f32 v4, v0  }
0x1af: {  	v19 =	vld [tilespmem:s19+$0x4000];
	v4 =	vbroadcast v3, $0x2;
	v18 =	vmul.f32 v10, v11  }
0x1b0: {  	v10 =	vbroadcast v3, $0x8;
	[tilespmem:s19+$0xB500] =	vst v8;
	v5 =	vmul.f32 v5, v2  }
0x1b1: {  	v13 =	vld [tilespmem:s19+$0x4200];
	[tilespmem:s19+$0x9D00] =	vst v9;
	v8 =	vbroadcast v3, $0x3;
	v6 =	vmul.f32 v6, v4  }
0x1b2: {  	v14 =	vld [tilespmem:s19+$0x4400];
	v9 =	vbroadcast v3, $0x6;
	[tilespmem:s19+$0xA500] =	vst v18;
	v18 =	vmul.f32 v17, v12  }
0x1b3: {  	v15 =	vld [tilespmem:s19+$0x4600];
	[tilespmem:s19+$0x9F00] =	vst v5;
	v7 =	vmul.f32 v7, v8;
	v5 =	vbroadcast v3, $0x7  }
0x1b4: {  	v16 =	vld [tilespmem:s19+$0x4800];
	[tilespmem:s19+$0xA100] =	vst v6;
	v6 =	vbroadcast v3, $0x9;
	v19 =	vmul.f32 v19, v9  }
0x1b5: {  	s20 =	simm.s32 $0x10;
	s21 =	simm.s32 $0x80;
	v17 =	vld [tilespmem:s19+$0x4A00];
	[tilespmem:s19+$0xA300] =	vst v7;
	v7 =	vbroadcast v3, $0xA;
	v3 =	vbroadcast v3, $0xB  }
.LBB2_7:
0x1b6: {  	p4 =	sne.s32 s21, $0x7C0;
	v20 =	vld [tilespmem:s20+$0x4C00];
	[tilespmem:s19+$0xA700] =	vst v18;
	v13 =	vmul.f32 v13, v5  }
0x1b7: {  	v18 =	vld [tilespmem:s20+$0x3400];
	[tilespmem:s19+$0xA900] =	vst v19;
	v14 =	vmul.f32 v14, v10  }
0x1b8: {  	v19 =	vld [tilespmem:s20+$0x3600];
	[tilespmem:s19+$0xAB00] =	vst v13;
	v13 =	vmul.f32 v15, v6  }
0x1b9: {  	v15 =	vld [tilespmem:s20+$0x3800];
	[tilespmem:s19+$0xAD00] =	vst v14;
	v14 =	vmul.f32 v16, v7  }
0x1ba: {  	v16 =	vld [tilespmem:s20+$0x3A00];
	[tilespmem:s19+$0xAF00] =	vst v13;
	v13 =	vmul.f32 v17, v3  }
0x1bb: {  	v17 =	vld [tilespmem:s20+$0x3C00];
	v20 =	vmul.f32 v20, v1;
	[tilespmem:s19+$0xB100] =	vst v14  }
0x1bc: {  	v14 =	vmul.f32 v18, v0;
	v18 =	vld [tilespmem:s20+$0x3E00];
	[tilespmem:s19+$0xB300] =	vst v13;
	s19 =	smov.u32 s20  }
0x1bd: {  	v19 =	vmul.f32 v19, v2;
	v21 =	vld [tilespmem:s19+$0x4000];
	[tilespmem:s19+$0xB500] =	vst v20  }
.Ltmp2:
0x1be: {  	[tilespmem:s19+$0x9D00] =	vst v14;
	v15 =	vmul.f32 v15, v4;
	v13 =	vld [tilespmem:s19+$0x4200];
	(pc) =	sbr.rel @p4 .LBB2_7-.Ltmp2, $4  }
0x1bf: {  	[tilespmem:s19+$0x9F00] =	vst v19;
	v16 =	vmul.f32 v16, v8;
	v14 =	vld [tilespmem:s19+$0x4400]  }
0x1c0: {  	[tilespmem:s19+$0xA100] =	vst v15;
	v17 =	vmul.f32 v17, v11;
	v15 =	vld [tilespmem:s19+$0x4600]  }
0x1c1: {  	[tilespmem:s19+$0xA300] =	vst v16;
	v18 =	vmul.f32 v18, v12;
	v16 =	vld [tilespmem:s19+$0x4800]  }
0x1c2: {  	s20 =	sshra.s32 s21, $0x2;
	s21 =	sadd.s32 $0x40, s21;
	[tilespmem:s19+$0xA500] =	vst v17;
	v19 =	vmul.f32 v21, v9;
	v17 =	vld [tilespmem:s19+$0x4A00]  }
0x1c3: {  	v20 =	vld [tilespmem:s20+$0x4C00];
	[tilespmem:s19+$0xA700] =	vst v18;
	v13 =	vmul.f32 v13, v5  }
0x1c4: {  	v18 =	vld [tilespmem:s20+$0x3400];
	[tilespmem:s19+$0xA900] =	vst v19;
	v14 =	vmul.f32 v14, v10  }
0x1c5: {  	v19 =	vld [tilespmem:s20+$0x3600];
	[tilespmem:s19+$0xAB00] =	vst v13;
	v15 =	vmul.f32 v15, v6  }
0x1c6: {  	v13 =	vld [tilespmem:s20+$0x3800];
	[tilespmem:s19+$0xAD00] =	vst v14;
	v16 =	vmul.f32 v16, v7  }
0x1c7: {  	v14 =	vld [tilespmem:s20+$0x3A00];
	[tilespmem:s19+$0xAF00] =	vst v15;
	v17 =	vmul.f32 v17, v3  }
0x1c8: {  	v15 =	vld [tilespmem:s20+$0x3C00];
	[tilespmem:s19+$0xB100] =	vst v16;
	v1 =	vmul.f32 v20, v1  }
0x1c9: {  	v16 =	vld [tilespmem:s20+$0x3E00];
	[tilespmem:s19+$0xB300] =	vst v17;
	v0 =	vmul.f32 v18, v0  }
0x1ca: {  	v17 =	vld [tilespmem:s20+$0x4000];
	[tilespmem:s20+$0xB500] =	vst v1;
	v50 =	vmul.f32 v19, v2  }
0x1cb: {  	v51 =	vld [tilespmem:s20+$0x4200];
	[tilespmem:s20+$0x9D00] =	vst v0;
	v52 =	vmul.f32 v13, v4  }
0x1cc: {  	v53 =	vld [tilespmem:s20+$0x4400];
	[tilespmem:s20+$0x9F00] =	vst v50;
	v54 =	vmul.f32 v14, v8  }
0x1cd: {  	v55 =	vld [tilespmem:s20+$0x4600];
	[tilespmem:s20+$0xA100] =	vst v52;
	v56 =	vmul.f32 v15, v11  }
0x1ce: {  	v57 =	vld [tilespmem:s20+$0x4800];
	[tilespmem:s20+$0xA300] =	vst v54;
	v58 =	vmul.f32 v16, v12  }
0x1cf: {  	v60 =	vld [tilespmem:s20+$0x4A00];
	[tilespmem:s20+$0xA500] =	vst v56;
	v59 =	vmul.f32 v17, v9  }
0x1d0: {  	v0 =	vmul.f32 v51, v5;
	[tilespmem:s20+$0xA700] =	vst v58  }
0x1d1: {  	v1 =	vmul.f32 v53, v10;
	[tilespmem:s20+$0xA900] =	vst v59  }
0x1d2: {  	v61 =	vmul.f32 v55, v6;
	[tilespmem:s20+$0xAB00] =	vst v0  }
0x1d3: {  	v62 =	vmul.f32 v57, v7;
	[tilespmem:s20+$0xAD00] =	vst v1  }
0x1d4: {  	v63 =	vmul.f32 v60, v3;
	[tilespmem:s20+$0xAF00] =	vst v61  }
0x1d5: {  	[tilespmem:s20+$0xB100] =	vst v62  }
0x1d6: {  	[tilespmem:s20+$0xB300] =	vst v63  }
0x1d7: {  	_ =	swait.ge [sflag:s31], $0x200  }
0x1d8: {  	[sflag:s31] =	ssyncset.done $0x0  }
0x1d9: {  	[sflag:s31] =	ssyncadd.s32 $0xFFFFFE00  }
0x1da: {  	_ =	swait.ge [sflag:s31], $0x200  }
0x1db: {  	[sflag:s31] =	ssyncset.done $0x0  }
0x1dc: {  	[sflag:s31] =	ssyncadd.s32 $0xFFFFFE00  }
0x1dd: {  	_ =	swait.ge [sflag:s31], $0x200  }
0x1de: {  	[sflag:s31] =	ssyncset.done $0x0  }
0x1df: {  	[sflag:s31] =	ssyncadd.s32 $0xFFFFFE00  }
0x1e0: {  	_ =	swait.ge [sflag:s31], $0x200  }
0x1e1: {  	[sflag:s31] =	ssyncset.done $0x0  }
0x1e2: {  	[sflag:s31] =	ssyncadd.s32 $0xFFFFFE00  }
0x1e3: {  	_ =	swait.ge [sflag:s31], $0x200  }
0x1e4: {  	[sflag:s31] =	ssyncset.done $0x0  }
0x1e5: {  	[sflag:s31] =	ssyncadd.s32 $0xFFFFFE00  }
0x1e6: {  	_ =	swait.ge [sflag:s31], $0x200  }
0x1e7: {  	[sflag:s31] =	ssyncset.done $0x0  }
0x1e8: {  	[sflag:s31] =	ssyncadd.s32 $0xFFFFFE00  }
0x1e9: {  	_ =	swait.ge [sflag:s31], $0x200  }
0x1ea: {  	[sflag:s31] =	ssyncset.done $0x0  }
0x1eb: {  	[sflag:s31] =	ssyncadd.s32 $0xFFFFFE00  }
0x1ec: {  	_ =	swait.ge [sflag:s31], $0x200  }
0x1ed: {  	[sflag:s31] =	ssyncset.done $0x0  }
0x1ee: {  	[sflag:s31] =	ssyncadd.s32 $0xFFFFFE00  }
0x1ef: {  	_ =	swait.ge [sflag:s31], $0x200  }
0x1f0: {  	[sflag:s31] =	ssyncset.done $0x0  }
0x1f1: {  	[sflag:s31] =	ssyncadd.s32 $0xFFFFFE00  }
0x1f2: {  	_ =	swait.ge [sflag:s31], $0x200  }
0x1f3: {  	[sflag:s31] =	ssyncset.done $0x0  }
0x1f4: {  	[sflag:s31] =	ssyncadd.s32 $0xFFFFFE00  }
0x1f5: {  	_ =	swait.ge [sflag:s31], $0x200  }
0x1f6: {  	[sflag:s31] =	ssyncset.done $0x0  }
0x1f7: {  	[sflag:s31] =	ssyncadd.s32 $0xFFFFFE00  }
0x1f8: {  	_ =	swait.ge [sflag:s31], $0x200  }
0x1f9: {  	[sflag:s31] =	ssyncset.done $0x0  }
0x1fa: {  	[sflag:s31] =	ssyncadd.s32 $0xFFFFFE00  }
0x1fb: {  	_ =	swait.ge [sflag:s31], $0x200  }
0x1fc: {  	[sflag:s31] =	ssyncset.done $0x0  }
0x1fd: {  	[sflag:s31] =	ssyncadd.s32 $0xFFFFFE00  }
0x1fe: {  	_ =	swait.ge [sflag:s31], $0x200  }
0x1ff: {  	[sflag:s31] =	ssyncset.done $0x0  }
0x200: {  	[sflag:s31] =	ssyncadd.s32 $0xFFFFFE00  }
0x201: {  	_ =	swait.ge [sflag:s31], $0x200  }
0x202: {  	[sflag:s31] =	ssyncset.done $0x0  }
0x203: {  	[sflag:s31] =	ssyncadd.s32 $0xFFFFFE00  }
0x204: {  	_ =	swait.ge [sflag:s31], $0x200  }
0x205: {  	[sflag:s31] =	ssyncset.done $0x0  }
0x206: {  	[sflag:s31] =	ssyncadd.s32 $0xFFFFFE00  }
0x207: {  	_ =	swait.ge [sflag:s31], $0x200  }
0x208: {  	[sflag:s31] =	ssyncset.done $0x0  }
0x209: {  	[sflag:s31] =	ssyncadd.s32 $0xFFFFFE00  }
0x20a: {  	_ =	swait.ge [sflag:s31], $0x200  }
0x20b: {  	[sflag:s31] =	ssyncset.done $0x0  }
0x20c: {  	[sflag:s31] =	ssyncadd.s32 $0xFFFFFE00  }
0x20d: {  	_ =	swait.ge [sflag:s31], $0x200  }
0x20e: {  	[sflag:s31] =	ssyncset.done $0x0  }
0x20f: {  	[sflag:s31] =	ssyncadd.s32 $0xFFFFFE00  }
0x210: {  	_ =	swait.ge [sflag:s31], $0x200  }
0x211: {  	[sflag:s31] =	ssyncset.done $0x0  }
0x212: {  	[sflag:s31] =	ssyncadd.s32 $0xFFFFFE00  }
0x213: {  	_ =	swait.ge [sflag:s31], $0x200  }
0x214: {  	[sflag:s31] =	ssyncset.done $0x0  }
0x215: {  	[sflag:s31] =	ssyncadd.s32 $0xFFFFFE00  }
0x216: {  	_ =	swait.ge [sflag:s31], $0x200  }
0x217: {  	[sflag:s31] =	ssyncset.done $0x0  }
0x218: {  	[sflag:s31] =	ssyncadd.s32 $0xFFFFFE00  }
0x219: {  	_ =	swait.ge [sflag:s31], $0x200  }
0x21a: {  	[sflag:s31] =	ssyncset.done $0x0  }
0x21b: {  	[sflag:s31] =	ssyncadd.s32 $0xFFFFFE00  }
0x21c: {  	_ =	swait.ge [sflag:s31], $0x200  }
0x21d: {  	[sflag:s31] =	ssyncset.done $0x0  }
0x21e: {  	p4 =	seq.s32 s15, $0xF;
	[sflag:s31] =	ssyncadd.s32 $0xFFFFFE00  }
0x21f: {  	p5 =	sgt.u32 @!p4 s4, $0xB;
	_ =	swait.ge [sflag:s31], $0x200  }
0x220: {  	s17 =	sadd.s32 $0x2, s17;
	p5 =	por p5, p4;
	[sflag:s31] =	ssyncset.done $0x0  }
0x221: {  	s19 =	sshrl.u32 @!p5 s17, $0x3;
	[sflag:s31] =	ssyncadd.s32 $0xFFFFFE00  }
0x222: {  	s19 =	smul.u32 @!p5 $0x7A1400, s19;
	_ =	swait.ge [sflag:s31], $0x200  }
0x223: {  	p4 =	por !p3, p4;
	s20 =	sshll.u32 @!p5 s17, $0x7;
	[sflag:s31] =	ssyncset.done $0x0  }
0x224: {  	s19 =	sadd.s32 @!p5 s14, s19;
	s20 =	sand.u32 @!p5 $0x300, s20;
	[sflag:s31] =	ssyncadd.s32 $0xFFFFFE00  }
0x225: {  	s9 =	simm.s32 @!p5 $0x1;
	s19 =	sor.u32 @!p5 s20, s19;
	[bflag:$0x0] =	sbarrier.arrive $0xFFFF  }
0x226: {  	s10 =	simm.s32 @!p5 $0x10;
	s19 =	sshrl.u32 @!p5 s19, $0x3;
	s6 =	rddreg [dreg:$0x2]  }
0x227: {  	s20 =	sshll.u32 @!p5 s4, $0x6;
	s19 =	sadd.s32 @!p5 s6, s19;
	s6 =	rddreg [dreg:$0xa]  }
0x228: {  	s20 =	sor.u32 @!p5 $0x1C01, s20;
	s21 =	sshrl.u32 @!p5 s6, $0x3;
	s6 =	simm.s32 @!p5 $0x80  }
0x229: {  	[spmem:s21@s10], [sflag:s20] =	dma.strided @!p5 [hbm:s19@s6], $0x28B0, s9, $0x10   }
0x22a: {  	s6 =	sshll.u32 @!p4 s17, $0x4;
	s9 =	sshll.u32 @!p4 s4, $0x6;
	s10 =	sshrl.u32 @!p4 s11, $0x3  }
0x22b: {  	s20 =	sshll.u32 s16, $0x7;
	s6 =	sadd.s32 @!p4 s8, s6;
	s9 =	sor.u32 @!p4 $0x1C01, s9  }
0x22c: {  	[spmem:s10], [sflag:s9] =	dma.local @!p4 [hbm:s6], $0x10  }
0x22d: {  	s6 =	sand.u32 $0x380, s20  }
0x22e: {  	s6 =	sor.u32 s6, s7  }
0x22f: {  	s6 =	sor.u32 s18, s6  }
0x230: {  	s9 =	rddreg [dreg:$0x5];
	s6 =	sshrl.u32 s6, $0x3  }
0x231: {  	s21 =	simm.s32 $0x9D00;
	s17 =	simm.s32 $0x800;
	s16 =	sadd.s32 s9, s6  }
0x232: {  	[hbm4b:s16+s22] =	stream.strided.scatter [tilespmem:s21], [sflag:$0x5], $0x200, s23, s22, $0x38;
	[tilespmem:$0x1DF28] =	vst v63  }
.LBB2_9:
0x233: {  	p4 =	sne.s32 s17, $0x13000  }
.Ltmp3:
0x234: {  	_ = 	snop;
	(pc) =	sbr.rel @p4 .LBB2_9-.Ltmp3, $4  }
0x235: {  	_ = 	snop  }
0x236: {  	s6 =	sshra.s32 s17, $0x2;
	s17 =	sadd.s32 $0x800, s17  }
0x237: {  	s16 =	sadd.s32 $0x10000, s16;
	s6 =	sadd.s32 $0x9D00, s6  }
0x238: {  	[hbm4b:s16+s22] =	stream.strided.scatter [tilespmem:s6], [sflag:$0x5], $0x200, s23, s22, $0x38;
	[tilespmem:$0x1DF28] =	vst v63  }
0x239: {  	s15 =	sadd.s32 $0x1, s15  }
0x23a: {  	p4 =	sne.s32 s15, $0x10  }
.Ltmp4:
0x23b: {  	_ = 	snop;
	(pc) =	sbr.rel @p4 .LBB2_2-.Ltmp4, $2  }
0x23c: {  	_ =	sdelay $0x2  }
0x23d: {  	s9 =	simm.s32 $0x600;
	s10 =	simm.s32 $0x800  }
0x23e: {  	s0 =	simm.s32 $0x4  }
0x23f: {  	_ =	swait.ge [sflag:s0], $0x4E00  }
0x240: {  	[sflag:s0] =	ssyncset.done $0x0  }
0x241: {  	s2 =	simm.s32 $0x5;
	[sflag:s0] =	ssyncadd.s32 $0xFFFFB200  }
0x242: {  	_ =	swait.ge [sflag:s2], $0x4E00  }
0x243: {  	s6 =	sld [smem:$0x7F7];
	_ =	sdelay $0x2  }
0x244: {  	s21 =	rddreg [dreg:$0xc];
	s6 =	sadd.s32 $0x1, s6  }
0x245: {  	p3 =	sne.s32 s6, s21  }
.Ltmp5:
0x246: {  	_ = 	snop;
	(pc) =	sbr.rel @p3 .LBB2_1-.Ltmp5, $3  }
0x247: {  	_ =	sdelay $0x1  }
0x248: {  	[sflag:s2] =	ssyncset.done $0x0  }
0x249: {  	[sflag:s2] =	ssyncadd.s32 $0xFFFFB200  }
0x24a: {  	_ =	sfence.sel $0x180000  }
0x24b: {  	[bflag:$0x0] =	sbarrier.arrive $0xFFFF  }
0x24c: {  	_ =	strace $0x90000047  }
0x24d: {  	[bflag:$0x2] =	sbarrier.arrive $0xFFFF  }
0x24e: {  	p0 =	sne.s32 s4, $0x0;
	s0 =	rddreg [dreg:$0x7]  }
0x24f: {  	s0 =	sadd.s32 @!p0 $0x100000, s0  }
0x250: {  	[sflag:s0] =	ssyncadd.tile.s32 @!p0 $0x1;
	_ =	shalt  }
.Lfunc_end2:
_tile_overlayer_lowered:
.L_overlay_start_2:
0x251: {  	(tag) =	ssettag $0x2  }
0x252: {  	s0 =	rddreg [dreg:$0x0];
	s2 =	stileid.u32  }
0x253: {  	s1 =	rddreg [dreg:$0x1];
	p0 =	sne.s32 s2, $0x0  }
0x254: {  	s3 =	rddreg [dreg:$0x2];
	[bflag:$0x3] =	sbarrier.arrive $0xFFFF;
	s2 =	simm.s32 @!p0 $0x1C06  }
0x255: {  	[timem:s3], [sflag:s2] =	dma.local @!p0 [hbm:s0], s1  }
0x256: {  	s0 =	simm.s32 @!p0 $0x6  }
0x257: {  	_ =	swait.ge @!p0 [sflag:s0], s1  }
0x258: {  	s1 =	ssub.s32 @!p0 $0x0, s1;
	[sflag:s0] =	ssyncset.done @!p0 $0x0  }
0x259: {  	[sflag:s0] =	ssyncadd.s32 @!p0 s1  }
0x25a: {  	[bflag:$0x3] =	sbarrier.arrive $0xFFFF  }
0x25b: {  	_ =	shalt  }

</sc_bundles>
